<compile_context>
chip_gen: v7x
topology: tpu7x:2x2x1
jax: 0.10.2.dev20260603
libtpu: 0.0.44.dev20260713+nightly
codegen_flags: <defaults>
</compile_context>

<pallas_src>
import functools

import jax
import jax.numpy as jnp
from jax import lax
from jax.experimental import pallas as pl
from jax.experimental.pallas import tpu as pltpu
from jax.experimental.pallas import tpu_sc as plsc

NC = 2
NS = 16
NW = NC * NS
EDGE_CHUNK = 80


def _make_sc_aggregate(n_pad, n_edges, d, with_deg):
    rows_per_tile = n_pad // NS
    assert rows_per_tile % EDGE_CHUNK == 0
    edges_per_worker = n_edges // NW
    assert edges_per_worker % EDGE_CHUNK == 0
    n_chunks = edges_per_worker // EDGE_CHUNK
    assert n_chunks % 2 == 1 and n_chunks >= 3

    mesh = plsc.VectorSubcoreMesh(core_axis_name="c", subcore_axis_name="s")

    stage_dst = not with_deg

    out_type = [jax.ShapeDtypeStruct((NC, n_pad, d), jnp.float32)]
    scratch = [
        pltpu.VMEM((edges_per_worker,), jnp.int32),
        pltpu.VMEM((EDGE_CHUNK,), jnp.int32),
        pltpu.VMEM((EDGE_CHUNK,), jnp.int32),
        pltpu.VMEM((EDGE_CHUNK, d), jnp.float32),
        pltpu.VMEM((EDGE_CHUNK, d), jnp.float32),
        pltpu.VMEM_SHARED((n_pad, d), jnp.float32),
        pltpu.SemaphoreType.DMA,
        pltpu.SemaphoreType.DMA,
    ]
    if with_deg:
        out_type.append(jax.ShapeDtypeStruct((NW * n_pad,), jnp.float32))
        scratch.append(pltpu.VMEM((n_pad,), jnp.float32))
        scratch.append(pltpu.SemaphoreType.DMA)
        scratch.append(pltpu.SemaphoreType.DMA)
    if stage_dst:
        scratch.append(pltpu.VMEM((edges_per_worker,), jnp.int32))

    @functools.partial(
        pl.kernel, mesh=mesh, out_type=out_type, scratch_types=scratch,
        compiler_params=pltpu.CompilerParams(needs_layout_passes=False))
    def sc_aggregate(rows_hbm, src_hbm, dst_hbm, out_hbm, *rest):
        if with_deg:
            (deg_hbm, src_all, dst_a, dst_b, rows_a, rows_b,
             agg_sh, sem_a, sem_b, deg_v, dsem_a, dsem_b) = rest
            dst_all = None
        else:
            (src_all, dst_a, dst_b, rows_a, rows_b, agg_sh,
             sem_a, sem_b, dst_all) = rest
            dsem_a = dsem_b = None
        c = lax.axis_index("c")
        s = lax.axis_index("s")
        w = c * NS + s
        base = w * edges_per_worker

        pltpu.sync_copy(src_hbm.at[pl.ds(base, edges_per_worker)], src_all)
        if stage_dst:
            pltpu.sync_copy(dst_hbm.at[pl.ds(base, edges_per_worker)],
                            dst_all)

        def _zrow(i, _):
            def _zcol(j, _):
                rows_a[i, pl.ds(j * 16, 16)] = jnp.zeros((16,), jnp.float32)
                return 0
            return lax.fori_loop(0, d // 16, _zcol, 0)
        lax.fori_loop(0, EDGE_CHUNK, _zrow, 0)

        def _zcopy(k, _):
            pltpu.sync_copy(
                rows_a,
                agg_sh.at[pl.ds(s * rows_per_tile + k * EDGE_CHUNK,
                                EDGE_CHUNK)])
            return 0
        lax.fori_loop(0, rows_per_tile // EDGE_CHUNK, _zcopy, 0)

        if with_deg:
            def _zdeg(i, _):
                deg_v[pl.ds(i * 16, 16)] = jnp.zeros((16,), jnp.float32)
                return 0
            lax.fori_loop(0, n_pad // 16, _zdeg, 0)
            ones16 = jnp.ones((16,), jnp.float32)

        plsc.subcore_barrier()

        def _gather(j, buf, sem):
            pltpu.async_copy(
                rows_hbm.at[src_all.at[pl.ds(j * EDGE_CHUNK, EDGE_CHUNK)]],
                buf, sem)

        def _wait(buf, sem):
            pltpu.make_async_copy(rows_hbm.at[pl.ds(0, EDGE_CHUNK)], buf,
                                  sem).wait()

        def _scatter(dst_v, buf):
            pltpu.sync_copy(buf, agg_sh.at[dst_v], add=True)

        def _issue_dst(j, dst_v, dsem):
            if stage_dst:
                for k in range(EDGE_CHUNK // 16):
                    dst_v[pl.ds(k * 16, 16)] = (
                        dst_all[pl.ds(j * EDGE_CHUNK + k * 16, 16)])
            else:
                pltpu.async_copy(
                    dst_hbm.at[pl.ds(base + j * EDGE_CHUNK, EDGE_CHUNK)],
                    dst_v, dsem)

        def _finish_dst(dst_v, dsem):
            if not stage_dst:
                pltpu.make_async_copy(dst_hbm.at[pl.ds(0, EDGE_CHUNK)],
                                      dst_v, dsem).wait()
            if with_deg:
                for k in range(EDGE_CHUNK // 16):
                    idx16 = dst_v[pl.ds(k * 16, 16)]
                    plsc.addupdate_scatter(deg_v, [idx16], ones16)

        _gather(0, rows_a, sem_a)
        _issue_dst(0, dst_a, dsem_a)

        def _pair(gg, _):
            j0 = 2 * gg
            _gather(j0 + 1, rows_b, sem_b)
            _issue_dst(j0 + 1, dst_b, dsem_b)
            _wait(rows_a, sem_a)
            _finish_dst(dst_a, dsem_a)
            _scatter(dst_a, rows_a)
            _gather(j0 + 2, rows_a, sem_a)
            _issue_dst(j0 + 2, dst_a, dsem_a)
            _wait(rows_b, sem_b)
            _finish_dst(dst_b, dsem_b)
            _scatter(dst_b, rows_b)
            return 0
        lax.fori_loop(0, (n_chunks - 1) // 2, _pair, 0)

        _wait(rows_a, sem_a)
        _finish_dst(dst_a, dsem_a)
        _scatter(dst_a, rows_a)

        if with_deg:
            pltpu.sync_copy(deg_v, deg_hbm.at[pl.ds(w * n_pad, n_pad)])

        plsc.subcore_barrier()

        pltpu.sync_copy(agg_sh.at[pl.ds(s * rows_per_tile, rows_per_tile)],
                        out_hbm.at[c, pl.ds(s * rows_per_tile, rows_per_tile)])

    return sc_aggregate


def _deg_column(dp):
    dpt = jnp.transpose(dp)
    return jnp.maximum(jnp.sum(dpt, axis=1, keepdims=True), 1.0)


def _tc_layer1(x, p, degp, w_self, w_neigh, b, blk):
    n, din = x.shape

    def body(x_ref, p_ref, dp_ref, ws_ref, wn_ref, b_ref, h_ref):
        agg = p_ref[0] + p_ref[1]
        hn = agg / _deg_column(dp_ref[...])
        h = (jnp.dot(x_ref[...], ws_ref[...], preferred_element_type=jnp.float32)
             + jnp.dot(hn, wn_ref[...], preferred_element_type=jnp.float32)
             + b_ref[...])
        h_ref[...] = jnp.maximum(h, 0.0)

    return pl.pallas_call(
        body,
        grid=(pl.cdiv(n, blk),),
        in_specs=[
            pl.BlockSpec((blk, din), lambda i: (i, 0)),
            pl.BlockSpec((NC, blk, din), lambda i: (0, i, 0)),
            pl.BlockSpec((NW, blk), lambda i: (0, i)),
            pl.BlockSpec((din, din), lambda i: (0, 0)),
            pl.BlockSpec((din, din), lambda i: (0, 0)),
            pl.BlockSpec((1, din), lambda i: (0, 0)),
        ],
        out_specs=pl.BlockSpec((blk, din), lambda i: (i, 0)),
        out_shape=jax.ShapeDtypeStruct((n, din), jnp.float32),
    )(x, p, degp, w_self, w_neigh, b)


def _tc_layer2(h1, q, degp, w_self, w_neigh, b, blk):
    n, d = h1.shape

    def body(h_ref, q_ref, dp_ref, ws_ref, wn_ref, b_ref, o_ref):
        hn = (q_ref[0] + q_ref[1]) / _deg_column(dp_ref[...])
        o_ref[...] = (
            jnp.dot(h_ref[...], ws_ref[...], preferred_element_type=jnp.float32)
            + jnp.dot(hn, wn_ref[...], preferred_element_type=jnp.float32)
            + b_ref[...])

    return pl.pallas_call(
        body,
        grid=(pl.cdiv(n, blk),),
        in_specs=[
            pl.BlockSpec((blk, d), lambda i: (i, 0)),
            pl.BlockSpec((NC, blk, d), lambda i: (0, i, 0)),
            pl.BlockSpec((NW, blk), lambda i: (0, i)),
            pl.BlockSpec((d, d), lambda i: (0, 0)),
            pl.BlockSpec((d, d), lambda i: (0, 0)),
            pl.BlockSpec((1, d), lambda i: (0, 0)),
        ],
        out_specs=pl.BlockSpec((blk, d), lambda i: (i, 0)),
        out_shape=jax.ShapeDtypeStruct((n, d), jnp.float32),
    )(h1, q, degp, w_self, w_neigh, b)


def kernel(x, edge_index, W_self1, W_neigh1, b1, W_self2, W_neigh2, b2):
    n, din = x.shape
    e = edge_index.shape[1]
    src = edge_index[0].astype(jnp.int32)
    dst = edge_index[1].astype(jnp.int32)

    blk = 2048
    n_pad = ((n + NS * 128 - 1) // (NS * 128)) * (NS * 128)

    p, degf = _make_sc_aggregate(n_pad, e, din, True)(x, src, dst)
    degp = degf.reshape(NW, n_pad)
    h1 = _tc_layer1(x, p, degp, W_self1, W_neigh1, b1.reshape(1, -1), blk)
    (q,) = _make_sc_aggregate(n_pad, e, din, False)(h1, src, dst)
    out = _tc_layer2(h1, q, degp, W_self2, W_neigh2, b2.reshape(1, -1), blk)
    return out

# --- scband reference (transcript-rebuilt; emitter-appended) ---
"""Pipeline reference for scband-graph-sage-25598005084435 (READ-ONLY COPY).

The authoritative reference and input builder live on the scoring server;
editing this copy changes nothing except your own understanding.
"""

import jax, jax.numpy as jnp
import numpy as np

N, E, D_IN, D_HID, D_OUT = 10000, 320000, 128, 128, 128


def setup_inputs(seed: int = 0) -> dict:
    key = jax.random.key(seed)
    ks = jax.random.split(key, 8)
    x = jax.random.normal(ks[0], (N, D_IN), dtype=jnp.float32)
    edge_index = jax.random.randint(ks[1], (2, E), 0, N)
    s_in = 1.0 / np.sqrt(D_IN)
    s_hid = 1.0 / np.sqrt(D_HID)
    W_self1 = jax.random.normal(ks[2], (D_IN, D_HID), dtype=jnp.float32) * s_in
    W_neigh1 = jax.random.normal(ks[3], (D_IN, D_HID), dtype=jnp.float32) * s_in
    b1 = jnp.zeros((D_HID,), dtype=jnp.float32)
    W_self2 = jax.random.normal(ks[4], (D_HID, D_OUT), dtype=jnp.float32) * s_hid
    W_neigh2 = jax.random.normal(ks[5], (D_HID, D_OUT), dtype=jnp.float32) * s_hid
    b2 = jnp.zeros((D_OUT,), dtype=jnp.float32)
    return {"x": x, "edge_index": edge_index, "W_self1": W_self1, "W_neigh1": W_neigh1, "b1": b1, "W_self2": W_self2, "W_neigh2": W_neigh2, "b2": b2}


def _sage_conv(h, src, dst, W_self, W_neigh, b):
    # DGL SAGEConv with 'mean' aggregator:
    #   h_neigh = mean over incoming neighbors (src -> dst)
    #   out = h_self @ W_self + h_neigh @ W_neigh + b
    msg = jnp.take(h, src, axis=0)                                  # gather  [E, d]
    agg = jnp.zeros((N, h.shape[1]), dtype=h.dtype).at[dst].add(msg)  # scatter-add
    deg = jnp.zeros((N,), dtype=h.dtype).at[dst].add(1.0)
    deg = jnp.maximum(deg, 1.0)
    h_neigh = agg / deg[:, None]
    return h @ W_self + h_neigh @ W_neigh + b


def reference(x, edge_index, W_self1, W_neigh1, b1, W_self2, W_neigh2, b2):
    src = edge_index[0]
    dst = edge_index[1]
    h = _sage_conv(x, src, dst, W_self1, W_neigh1, b1)
    h = jax.nn.relu(h)
    h = _sage_conv(h, src, dst, W_self2, W_neigh2, b2)
    return h

if __name__ == "__main__":
    import jax
    _d = setup_inputs()
    print(jax.jit(kernel)(*tuple(_d.values())))

</pallas_src>

<mosaic_0001>
#map = affine_map<(d0, d1) -> (0, 0)>
#map1 = affine_map<(d0, d1) -> (0)>
#map2 = affine_map<(d0, d1) -> (0, 0, 0)>
module attributes {stable_mosaic.version = 14 : i64} {
  func.func @sc_aggregate(%arg0: i32, %arg1: i32, %arg2: memref<10000x128xf32, #tpu.memory_space<hbm>>, %arg3: memref<320000xi32, #tpu.memory_space<hbm>>, %arg4: memref<320000xi32, #tpu.memory_space<hbm>>, %arg5: memref<2x10240x128xf32, #tpu.memory_space<hbm>>, %arg6: memref<10000xi32, #tpu.memory_space<vmem>>, %arg7: memref<80xi32, #tpu.memory_space<vmem>>, %arg8: memref<80xi32, #tpu.memory_space<vmem>>, %arg9: memref<80x128xf32, #tpu.memory_space<vmem>>, %arg10: memref<80x128xf32, #tpu.memory_space<vmem>>, %arg11: memref<10240x128xf32, #tpu.memory_space<vmem_shared>>, %arg12: memref<!tpu.dma_semaphore, #tpu.memory_space<semaphore_mem>>, %arg13: memref<!tpu.dma_semaphore, #tpu.memory_space<semaphore_mem>>, %arg14: memref<10000xi32, #tpu.memory_space<vmem>>) attributes {dimension_semantics = [#tpu.dimension_semantics<core_parallel>, #tpu.dimension_semantics<subcore_parallel>], iteration_bounds = array<i64: 2, 16>, scalar_prefetch = 0 : i64, scratch_operands = 9 : i64, tpu.core_type = #tpu.core_type<sc_vector_subcore>, window_params = [{transform_indices = #map}, {transform_indices = #map1}, {transform_indices = #map1}, {transform_indices = #map2}]} {
    %mul3A = arith.constant 16 : i32
    %mul3A_0 = arith.muli %arg0, %mul3A : i32
    %add3A = arith.addi %mul3A_0, %arg1 : i32
    %mul3A_1 = arith.constant 10000 : i32
    %mul3A_2 = arith.muli %add3A, %mul3A_1 : i32
    "tpu.region"() ({
      %run_scoped3A = tpu.sem_alloc : memref<!tpu.dma_semaphore, #tpu.memory_space<semaphore_mem>>
      %dma_start3A_55 = tpu.memref_slice %arg3[%mul3A_2] : memref<320000xi32, #tpu.memory_space<hbm>> -> memref<10000xi32, #tpu.memory_space<hbm>>
      %dma_start3A_56 = tpu.memref_slice %arg3[%mul3A_2] : memref<320000xi32, #tpu.memory_space<hbm>> -> memref<10000xi32, #tpu.memory_space<hbm>>
      tpu.enqueue_dma source(%dma_start3A_56 : memref<10000xi32, #tpu.memory_space<hbm>>) target(%arg6 : memref<10000xi32, #tpu.memory_space<vmem>>) target_semaphore(%run_scoped3A : memref<!tpu.dma_semaphore, #tpu.memory_space<semaphore_mem>>)
      %dma_wait3A_57 = tpu.memref_slice %arg3[%mul3A_2] : memref<320000xi32, #tpu.memory_space<hbm>> -> memref<10000xi32, #tpu.memory_space<hbm>>
      %dma_wait3A_58 = tpu.memref_slice %arg3[%mul3A_2] : memref<320000xi32, #tpu.memory_space<hbm>> -> memref<10000xi32, #tpu.memory_space<hbm>>
      tpu.wait_dma2 semaphore(%run_scoped3A : memref<!tpu.dma_semaphore, #tpu.memory_space<semaphore_mem>>) src(%dma_wait3A_58 : memref<10000xi32, #tpu.memory_space<hbm>>) dst(%arg6 : memref<10000xi32, #tpu.memory_space<vmem>>)
      tpu.yield
    }) : () -> ()
    "tpu.region"() ({
      %run_scoped3A = tpu.sem_alloc : memref<!tpu.dma_semaphore, #tpu.memory_space<semaphore_mem>>
      %dma_start3A_55 = tpu.memref_slice %arg4[%mul3A_2] : memref<320000xi32, #tpu.memory_space<hbm>> -> memref<10000xi32, #tpu.memory_space<hbm>>
      %dma_start3A_56 = tpu.memref_slice %arg4[%mul3A_2] : memref<320000xi32, #tpu.memory_space<hbm>> -> memref<10000xi32, #tpu.memory_space<hbm>>
      tpu.enqueue_dma source(%dma_start3A_56 : memref<10000xi32, #tpu.memory_space<hbm>>) target(%arg14 : memref<10000xi32, #tpu.memory_space<vmem>>) target_semaphore(%run_scoped3A : memref<!tpu.dma_semaphore, #tpu.memory_space<semaphore_mem>>)
      %dma_wait3A_57 = tpu.memref_slice %arg4[%mul3A_2] : memref<320000xi32, #tpu.memory_space<hbm>> -> memref<10000xi32, #tpu.memory_space<hbm>>
      %dma_wait3A_58 = tpu.memref_slice %arg4[%mul3A_2] : memref<320000xi32, #tpu.memory_space<hbm>> -> memref<10000xi32, #tpu.memory_space<hbm>>
      tpu.wait_dma2 semaphore(%run_scoped3A : memref<!tpu.dma_semaphore, #tpu.memory_space<semaphore_mem>>) src(%dma_wait3A_58 : memref<10000xi32, #tpu.memory_space<hbm>>) dst(%arg14 : memref<10000xi32, #tpu.memory_space<vmem>>)
      tpu.yield
    }) : () -> ()
    %scan3A = arith.constant 0 : i32
    %scan3A_3 = arith.constant 0 : i32
    %scan3A_4 = arith.constant 80 : i32
    %scan3A_5 = arith.addi %scan3A_3, %scan3A_4 : i32
    %scan3A_6 = arith.constant 1 : i32
    %scan3A_7 = scf.for %scan3A_55 = %scan3A_3 to %scan3A_5 step %scan3A_6 iter_args(%scan3A_56 = %scan3A) -> (i32)  : i32 {
      %scan3A_57 = arith.constant 0 : i32
      %scan3A_58 = arith.constant 0 : i32
      %scan3A_59 = arith.constant 8 : i32
      %scan3A_60 = arith.addi %scan3A_58, %scan3A_59 : i32
      %scan3A_61 = arith.constant 1 : i32
      %scan3A_62 = scf.for %scan3A_64 = %scan3A_58 to %scan3A_60 step %scan3A_61 iter_args(%scan3A_65 = %scan3A_57) -> (i32)  : i32 {
        %broadcast_in_dim3A = arith.constant 0.000000e+00 : f32
        %broadcast_in_dim3A_66 = vector.broadcast %broadcast_in_dim3A : f32 to vector<16xf32>
        %mul3A_67 = arith.constant 16 : i32
        %mul3A_68 = arith.muli %scan3A_64, %mul3A_67 : i32
        %swap3A_69 = arith.index_cast %scan3A_55 : i32 to index
        %swap3A_70 = arith.index_cast %mul3A_68 : i32 to index
        %swap3A_71 = tpu.vector_load %arg9[%swap3A_69, %swap3A_70] {strides = array<i32>} : memref<80x128xf32, #tpu.memory_space<vmem>>, vector<16xf32>,
        tpu.vector_store %arg9[%swap3A_69, %swap3A_70], %broadcast_in_dim3A_66 {strides = array<i32>} : memref<80x128xf32, #tpu.memory_space<vmem>>, vector<16xf32>,
        %scan3A_72 = arith.constant 0 : i32
        scf.yield %scan3A_72 : i32
      }
      %scan3A_63 = arith.constant 8 : i32
      scf.yield %scan3A_62 : i32
    }
    %scan3A_8 = arith.constant 80 : i32
    %scan3A_9 = arith.constant 0 : i32
    %scan3A_10 = arith.constant 0 : i32
    %scan3A_11 = arith.constant 8 : i32
    %scan3A_12 = arith.addi %scan3A_10, %scan3A_11 : i32
    %scan3A_13 = arith.constant 1 : i32
    %scan3A_14 = scf.for %scan3A_55 = %scan3A_10 to %scan3A_12 step %scan3A_13 iter_args(%scan3A_56 = %scan3A_9) -> (i32)  : i32 {
      %mul3A_57 = arith.constant 640 : i32
      %mul3A_58 = arith.muli %arg1, %mul3A_57 : i32
      %mul3A_59 = arith.constant 80 : i32
      %mul3A_60 = arith.muli %scan3A_55, %mul3A_59 : i32
      %add3A_61 = arith.addi %mul3A_58, %mul3A_60 : i32
      "tpu.region"() ({
        %run_scoped3A = tpu.sem_alloc : memref<!tpu.dma_semaphore, #tpu.memory_space<semaphore_mem>>
        %dma_start3A_63 = arith.constant 0 : i32
        %dma_start3A_64 = tpu.memref_slice %arg11[%add3A_61, %dma_start3A_63] : memref<10240x128xf32, #tpu.memory_space<vmem_shared>> -> memref<80x128xf32, #tpu.memory_space<vmem_shared>>
        %dma_start3A_65 = arith.constant 0 : i32
        %dma_start3A_66 = tpu.memref_slice %arg11[%add3A_61, %dma_start3A_65] : memref<10240x128xf32, #tpu.memory_space<vmem_shared>> -> memref<80x128xf32, #tpu.memory_space<vmem_shared>>
        tpu.enqueue_dma source(%arg9 : memref<80x128xf32, #tpu.memory_space<vmem>>) target(%dma_start3A_66 : memref<80x128xf32, #tpu.memory_space<vmem_shared>>) target_semaphore(%run_scoped3A : memref<!tpu.dma_semaphore, #tpu.memory_space<semaphore_mem>>)
        %dma_wait3A_67 = arith.constant 0 : i32
        %dma_wait3A_68 = tpu.memref_slice %arg11[%add3A_61, %dma_wait3A_67] : memref<10240x128xf32, #tpu.memory_space<vmem_shared>> -> memref<80x128xf32, #tpu.memory_space<vmem_shared>>
        %dma_wait3A_69 = arith.constant 0 : i32
        %dma_wait3A_70 = tpu.memref_slice %arg11[%add3A_61, %dma_wait3A_69] : memref<10240x128xf32, #tpu.memory_space<vmem_shared>> -> memref<80x128xf32, #tpu.memory_space<vmem_shared>>
        tpu.wait_dma2 semaphore(%run_scoped3A : memref<!tpu.dma_semaphore, #tpu.memory_space<semaphore_mem>>) src(%arg9 : memref<80x128xf32, #tpu.memory_space<vmem>>) dst(%dma_wait3A_70 : memref<80x128xf32, #tpu.memory_space<vmem_shared>>)
        tpu.yield
      }) : () -> ()
      %scan3A_62 = arith.constant 0 : i32
      scf.yield %scan3A_62 : i32
    }
    %scan3A_15 = arith.constant 8 : i32
    %barrier3A = arith.constant 0 : index
    tpu.barrier barrier_id(%barrier3A)
    %dma_start3A = arith.constant 0 : i32
    %dma_start3A_16 = tpu.memref_slice %arg6[%dma_start3A] : memref<10000xi32, #tpu.memory_space<vmem>> -> memref<80xi32, #tpu.memory_space<vmem>>
    %dma_start3A_17 = arith.constant 0 : i32
    %dma_start3A_18 = arith.constant 0 : i32
    %dma_start3A_19 = tpu.memref_slice %arg2[%dma_start3A_17, %dma_start3A_18] : memref<10000x128xf32, #tpu.memory_space<hbm>> -> memref<10000x128xf32, #tpu.memory_space<hbm>>
    tpu.enqueue_indirect_dma source(%dma_start3A_19 : memref<10000x128xf32, #tpu.memory_space<hbm>>) target(%arg9 : memref<80x128xf32, #tpu.memory_space<vmem>>) offsets(%dma_start3A_16 : memref<80xi32, #tpu.memory_space<vmem>>) semaphore(%arg12 : memref<!tpu.dma_semaphore, #tpu.memory_space<semaphore_mem>>)
    %get3A = arith.constant 0 : index
    %get3A_20 = tpu.vector_load %arg14[%get3A] {strides = array<i32>} : memref<10000xi32, #tpu.memory_space<vmem>>, vector<16xi32>,
    %swap3A = arith.constant 0 : index
    %swap3A_21 = tpu.vector_load %arg7[%swap3A] {strides = array<i32>} : memref<80xi32, #tpu.memory_space<vmem>>, vector<16xi32>,
    tpu.vector_store %arg7[%swap3A], %get3A_20 {strides = array<i32>} : memref<80xi32, #tpu.memory_space<vmem>>, vector<16xi32>,
    %get3A_22 = arith.constant 16 : index
    %get3A_23 = tpu.vector_load %arg14[%get3A_22] {strides = array<i32>} : memref<10000xi32, #tpu.memory_space<vmem>>, vector<16xi32>,
    %swap3A_24 = arith.constant 16 : index
    %swap3A_25 = tpu.vector_load %arg7[%swap3A_24] {strides = array<i32>} : memref<80xi32, #tpu.memory_space<vmem>>, vector<16xi32>,
    tpu.vector_store %arg7[%swap3A_24], %get3A_23 {strides = array<i32>} : memref<80xi32, #tpu.memory_space<vmem>>, vector<16xi32>,
    %get3A_26 = arith.constant 32 : index
    %get3A_27 = tpu.vector_load %arg14[%get3A_26] {strides = array<i32>} : memref<10000xi32, #tpu.memory_space<vmem>>, vector<16xi32>,
    %swap3A_28 = arith.constant 32 : index
    %swap3A_29 = tpu.vector_load %arg7[%swap3A_28] {strides = array<i32>} : memref<80xi32, #tpu.memory_space<vmem>>, vector<16xi32>,
    tpu.vector_store %arg7[%swap3A_28], %get3A_27 {strides = array<i32>} : memref<80xi32, #tpu.memory_space<vmem>>, vector<16xi32>,
    %get3A_30 = arith.constant 48 : index
    %get3A_31 = tpu.vector_load %arg14[%get3A_30] {strides = array<i32>} : memref<10000xi32, #tpu.memory_space<vmem>>, vector<16xi32>,
    %swap3A_32 = arith.constant 48 : index
    %swap3A_33 = tpu.vector_load %arg7[%swap3A_32] {strides = array<i32>} : memref<80xi32, #tpu.memory_space<vmem>>, vector<16xi32>,
    tpu.vector_store %arg7[%swap3A_32], %get3A_31 {strides = array<i32>} : memref<80xi32, #tpu.memory_space<vmem>>, vector<16xi32>,
    %get3A_34 = arith.constant 64 : index
    %get3A_35 = tpu.vector_load %arg14[%get3A_34] {strides = array<i32>} : memref<10000xi32, #tpu.memory_space<vmem>>, vector<16xi32>,
    %swap3A_36 = arith.constant 64 : index
    %swap3A_37 = tpu.vector_load %arg7[%swap3A_36] {strides = array<i32>} : memref<80xi32, #tpu.memory_space<vmem>>, vector<16xi32>,
    tpu.vector_store %arg7[%swap3A_36], %get3A_35 {strides = array<i32>} : memref<80xi32, #tpu.memory_space<vmem>>, vector<16xi32>,
    %scan3A_38 = arith.constant 0 : i32
    %scan3A_39 = arith.constant 0 : i32
    %scan3A_40 = arith.constant 62 : i32
    %scan3A_41 = arith.addi %scan3A_39, %scan3A_40 : i32
    %scan3A_42 = arith.constant 1 : i32
    %scan3A_43 = scf.for %scan3A_55 = %scan3A_39 to %scan3A_41 step %scan3A_42 iter_args(%scan3A_56 = %scan3A_38) -> (i32)  : i32 {
      %mul3A_57 = arith.constant 2 : i32
      %mul3A_58 = arith.muli %mul3A_57, %scan3A_55 : i32
      %add3A_59 = arith.constant 1 : i32
      %add3A_60 = arith.addi %mul3A_58, %add3A_59 : i32
      %mul3A_61 = arith.constant 80 : i32
      %mul3A_62 = arith.muli %add3A_60, %mul3A_61 : i32
      %dma_start3A_63 = tpu.memref_slice %arg6[%mul3A_62] : memref<10000xi32, #tpu.memory_space<vmem>> -> memref<80xi32, #tpu.memory_space<vmem>>
      %dma_start3A_64 = arith.constant 0 : i32
      %dma_start3A_65 = arith.constant 0 : i32
      %dma_start3A_66 = tpu.memref_slice %arg2[%dma_start3A_64, %dma_start3A_65] : memref<10000x128xf32, #tpu.memory_space<hbm>> -> memref<10000x128xf32, #tpu.memory_space<hbm>>
      tpu.enqueue_indirect_dma source(%dma_start3A_66 : memref<10000x128xf32, #tpu.memory_space<hbm>>) target(%arg10 : memref<80x128xf32, #tpu.memory_space<vmem>>) offsets(%dma_start3A_63 : memref<80xi32, #tpu.memory_space<vmem>>) semaphore(%arg13 : memref<!tpu.dma_semaphore, #tpu.memory_space<semaphore_mem>>)
      %add3A_67 = arith.constant 1 : i32
      %add3A_68 = arith.addi %mul3A_58, %add3A_67 : i32
      %mul3A_69 = arith.constant 80 : i32
      %mul3A_70 = arith.muli %add3A_68, %mul3A_69 : i32
      %add3A_71 = arith.constant 0 : i32
      %add3A_72 = arith.addi %mul3A_70, %add3A_71 : i32
      %get3A_73 = arith.index_cast %add3A_72 : i32 to index
      %get3A_74 = tpu.vector_load %arg14[%get3A_73] {strides = array<i32>} : memref<10000xi32, #tpu.memory_space<vmem>>, vector<16xi32>,
      %swap3A_75 = arith.constant 0 : index
      %swap3A_76 = tpu.vector_load %arg8[%swap3A_75] {strides = array<i32>} : memref<80xi32, #tpu.memory_space<vmem>>, vector<16xi32>,
      tpu.vector_store %arg8[%swap3A_75], %get3A_74 {strides = array<i32>} : memref<80xi32, #tpu.memory_space<vmem>>, vector<16xi32>,
      %mul3A_77 = arith.constant 80 : i32
      %mul3A_78 = arith.muli %add3A_68, %mul3A_77 : i32
      %add3A_79 = arith.constant 16 : i32
      %add3A_80 = arith.addi %mul3A_78, %add3A_79 : i32
      %get3A_81 = arith.index_cast %add3A_80 : i32 to index
      %get3A_82 = tpu.vector_load %arg14[%get3A_81] {strides = array<i32>} : memref<10000xi32, #tpu.memory_space<vmem>>, vector<16xi32>,
      %swap3A_83 = arith.constant 16 : index
      %swap3A_84 = tpu.vector_load %arg8[%swap3A_83] {strides = array<i32>} : memref<80xi32, #tpu.memory_space<vmem>>, vector<16xi32>,
      tpu.vector_store %arg8[%swap3A_83], %get3A_82 {strides = array<i32>} : memref<80xi32, #tpu.memory_space<vmem>>, vector<16xi32>,
      %mul3A_85 = arith.constant 80 : i32
      %mul3A_86 = arith.muli %add3A_68, %mul3A_85 : i32
      %add3A_87 = arith.constant 32 : i32
      %add3A_88 = arith.addi %mul3A_86, %add3A_87 : i32
      %get3A_89 = arith.index_cast %add3A_88 : i32 to index
      %get3A_90 = tpu.vector_load %arg14[%get3A_89] {strides = array<i32>} : memref<10000xi32, #tpu.memory_space<vmem>>, vector<16xi32>,
      %swap3A_91 = arith.constant 32 : index
      %swap3A_92 = tpu.vector_load %arg8[%swap3A_91] {strides = array<i32>} : memref<80xi32, #tpu.memory_space<vmem>>, vector<16xi32>,
      tpu.vector_store %arg8[%swap3A_91], %get3A_90 {strides = array<i32>} : memref<80xi32, #tpu.memory_space<vmem>>, vector<16xi32>,
      %mul3A_93 = arith.constant 80 : i32
      %mul3A_94 = arith.muli %add3A_68, %mul3A_93 : i32
      %add3A_95 = arith.constant 48 : i32
      %add3A_96 = arith.addi %mul3A_94, %add3A_95 : i32
      %get3A_97 = arith.index_cast %add3A_96 : i32 to index
      %get3A_98 = tpu.vector_load %arg14[%get3A_97] {strides = array<i32>} : memref<10000xi32, #tpu.memory_space<vmem>>, vector<16xi32>,
      %swap3A_99 = arith.constant 48 : index
      %swap3A_100 = tpu.vector_load %arg8[%swap3A_99] {strides = array<i32>} : memref<80xi32, #tpu.memory_space<vmem>>, vector<16xi32>,
      tpu.vector_store %arg8[%swap3A_99], %get3A_98 {strides = array<i32>} : memref<80xi32, #tpu.memory_space<vmem>>, vector<16xi32>,
      %mul3A_101 = arith.constant 80 : i32
      %mul3A_102 = arith.muli %add3A_68, %mul3A_101 : i32
      %add3A_103 = arith.constant 64 : i32
      %add3A_104 = arith.addi %mul3A_102, %add3A_103 : i32
      %get3A_105 = arith.index_cast %add3A_104 : i32 to index
      %get3A_106 = tpu.vector_load %arg14[%get3A_105] {strides = array<i32>} : memref<10000xi32, #tpu.memory_space<vmem>>, vector<16xi32>,
      %swap3A_107 = arith.constant 64 : index
      %swap3A_108 = tpu.vector_load %arg8[%swap3A_107] {strides = array<i32>} : memref<80xi32, #tpu.memory_space<vmem>>, vector<16xi32>,
      tpu.vector_store %arg8[%swap3A_107], %get3A_106 {strides = array<i32>} : memref<80xi32, #tpu.memory_space<vmem>>, vector<16xi32>,
      %dma_wait3A_109 = arith.constant 0 : i32
      %dma_wait3A_110 = arith.constant 0 : i32
      %dma_wait3A_111 = tpu.memref_slice %arg2[%dma_wait3A_109, %dma_wait3A_110] : memref<10000x128xf32, #tpu.memory_space<hbm>> -> memref<80x128xf32, #tpu.memory_space<hbm>>
      %dma_wait3A_112 = arith.constant 0 : i32
      %dma_wait3A_113 = arith.constant 0 : i32
      %dma_wait3A_114 = tpu.memref_slice %arg2[%dma_wait3A_112, %dma_wait3A_113] : memref<10000x128xf32, #tpu.memory_space<hbm>> -> memref<80x128xf32, #tpu.memory_space<hbm>>
      tpu.wait_dma2 semaphore(%arg12 : memref<!tpu.dma_semaphore, #tpu.memory_space<semaphore_mem>>) src(%dma_wait3A_114 : memref<80x128xf32, #tpu.memory_space<hbm>>) dst(%arg9 : memref<80x128xf32, #tpu.memory_space<vmem>>)
      "tpu.region"() ({
        %run_scoped3A = tpu.sem_alloc : memref<!tpu.dma_semaphore, #tpu.memory_space<semaphore_mem>>
        %dma_start3A_172 = arith.constant 0 : i32
        %dma_start3A_173 = arith.constant 0 : i32
        %dma_start3A_174 = tpu.memref_slice %arg11[%dma_start3A_172, %dma_start3A_173] : memref<10240x128xf32, #tpu.memory_space<vmem_shared>> -> memref<10240x128xf32, #tpu.memory_space<vmem_shared>>
        tpu.enqueue_indirect_dma source(%arg9 : memref<80x128xf32, #tpu.memory_space<vmem>>) target(%dma_start3A_174 : memref<10240x128xf32, #tpu.memory_space<vmem_shared>>) offsets(%arg7 : memref<80xi32, #tpu.memory_space<vmem>>) semaphore(%run_scoped3A : memref<!tpu.dma_semaphore, #tpu.memory_space<semaphore_mem>>) {add = true}
        %dma_wait3A_175 = arith.constant 0 : i32
        %dma_wait3A_176 = arith.constant 0 : i32
        %dma_wait3A_177 = tpu.memref_slice %arg11[%dma_wait3A_175, %dma_wait3A_176] : memref<10240x128xf32, #tpu.memory_space<vmem_shared>> -> memref<10240x128xf32, #tpu.memory_space<vmem_shared>>
        tpu.wait_indirect_dma semaphore(%run_scoped3A : memref<!tpu.dma_semaphore, #tpu.memory_space<semaphore_mem>>) src(%arg9 : memref<80x128xf32, #tpu.memory_space<vmem>>) dst(%dma_wait3A_177 : memref<10240x128xf32, #tpu.memory_space<vmem_shared>>)
        tpu.yield
      }) : () -> ()
      %add3A_115 = arith.constant 2 : i32
      %add3A_116 = arith.addi %mul3A_58, %add3A_115 : i32
      %mul3A_117 = arith.constant 80 : i32
      %mul3A_118 = arith.muli %add3A_116, %mul3A_117 : i32
      %dma_start3A_119 = tpu.memref_slice %arg6[%mul3A_118] : memref<10000xi32, #tpu.memory_space<vmem>> -> memref<80xi32, #tpu.memory_space<vmem>>
      %dma_start3A_120 = arith.constant 0 : i32
      %dma_start3A_121 = arith.constant 0 : i32
      %dma_start3A_122 = tpu.memref_slice %arg2[%dma_start3A_120, %dma_start3A_121] : memref<10000x128xf32, #tpu.memory_space<hbm>> -> memref<10000x128xf32, #tpu.memory_space<hbm>>
      tpu.enqueue_indirect_dma source(%dma_start3A_122 : memref<10000x128xf32, #tpu.memory_space<hbm>>) target(%arg9 : memref<80x128xf32, #tpu.memory_space<vmem>>) offsets(%dma_start3A_119 : memref<80xi32, #tpu.memory_space<vmem>>) semaphore(%arg12 : memref<!tpu.dma_semaphore, #tpu.memory_space<semaphore_mem>>)
      %add3A_123 = arith.constant 2 : i32
      %add3A_124 = arith.addi %mul3A_58, %add3A_123 : i32
      %mul3A_125 = arith.constant 80 : i32
      %mul3A_126 = arith.muli %add3A_124, %mul3A_125 : i32
      %add3A_127 = arith.constant 0 : i32
      %add3A_128 = arith.addi %mul3A_126, %add3A_127 : i32
      %get3A_129 = arith.index_cast %add3A_128 : i32 to index
      %get3A_130 = tpu.vector_load %arg14[%get3A_129] {strides = array<i32>} : memref<10000xi32, #tpu.memory_space<vmem>>, vector<16xi32>,
      %swap3A_131 = arith.constant 0 : index
      %swap3A_132 = tpu.vector_load %arg7[%swap3A_131] {strides = array<i32>} : memref<80xi32, #tpu.memory_space<vmem>>, vector<16xi32>,
      tpu.vector_store %arg7[%swap3A_131], %get3A_130 {strides = array<i32>} : memref<80xi32, #tpu.memory_space<vmem>>, vector<16xi32>,
      %mul3A_133 = arith.constant 80 : i32
      %mul3A_134 = arith.muli %add3A_124, %mul3A_133 : i32
      %add3A_135 = arith.constant 16 : i32
      %add3A_136 = arith.addi %mul3A_134, %add3A_135 : i32
      %get3A_137 = arith.index_cast %add3A_136 : i32 to index
      %get3A_138 = tpu.vector_load %arg14[%get3A_137] {strides = array<i32>} : memref<10000xi32, #tpu.memory_space<vmem>>, vector<16xi32>,
      %swap3A_139 = arith.constant 16 : index
      %swap3A_140 = tpu.vector_load %arg7[%swap3A_139] {strides = array<i32>} : memref<80xi32, #tpu.memory_space<vmem>>, vector<16xi32>,
      tpu.vector_store %arg7[%swap3A_139], %get3A_138 {strides = array<i32>} : memref<80xi32, #tpu.memory_space<vmem>>, vector<16xi32>,
      %mul3A_141 = arith.constant 80 : i32
      %mul3A_142 = arith.muli %add3A_124, %mul3A_141 : i32
      %add3A_143 = arith.constant 32 : i32
      %add3A_144 = arith.addi %mul3A_142, %add3A_143 : i32
      %get3A_145 = arith.index_cast %add3A_144 : i32 to index
      %get3A_146 = tpu.vector_load %arg14[%get3A_145] {strides = array<i32>} : memref<10000xi32, #tpu.memory_space<vmem>>, vector<16xi32>,
      %swap3A_147 = arith.constant 32 : index
      %swap3A_148 = tpu.vector_load %arg7[%swap3A_147] {strides = array<i32>} : memref<80xi32, #tpu.memory_space<vmem>>, vector<16xi32>,
      tpu.vector_store %arg7[%swap3A_147], %get3A_146 {strides = array<i32>} : memref<80xi32, #tpu.memory_space<vmem>>, vector<16xi32>,
      %mul3A_149 = arith.constant 80 : i32
      %mul3A_150 = arith.muli %add3A_124, %mul3A_149 : i32
      %add3A_151 = arith.constant 48 : i32
      %add3A_152 = arith.addi %mul3A_150, %add3A_151 : i32
      %get3A_153 = arith.index_cast %add3A_152 : i32 to index
      %get3A_154 = tpu.vector_load %arg14[%get3A_153] {strides = array<i32>} : memref<10000xi32, #tpu.memory_space<vmem>>, vector<16xi32>,
      %swap3A_155 = arith.constant 48 : index
      %swap3A_156 = tpu.vector_load %arg7[%swap3A_155] {strides = array<i32>} : memref<80xi32, #tpu.memory_space<vmem>>, vector<16xi32>,
      tpu.vector_store %arg7[%swap3A_155], %get3A_154 {strides = array<i32>} : memref<80xi32, #tpu.memory_space<vmem>>, vector<16xi32>,
      %mul3A_157 = arith.constant 80 : i32
      %mul3A_158 = arith.muli %add3A_124, %mul3A_157 : i32
      %add3A_159 = arith.constant 64 : i32
      %add3A_160 = arith.addi %mul3A_158, %add3A_159 : i32
      %get3A_161 = arith.index_cast %add3A_160 : i32 to index
      %get3A_162 = tpu.vector_load %arg14[%get3A_161] {strides = array<i32>} : memref<10000xi32, #tpu.memory_space<vmem>>, vector<16xi32>,
      %swap3A_163 = arith.constant 64 : index
      %swap3A_164 = tpu.vector_load %arg7[%swap3A_163] {strides = array<i32>} : memref<80xi32, #tpu.memory_space<vmem>>, vector<16xi32>,
      tpu.vector_store %arg7[%swap3A_163], %get3A_162 {strides = array<i32>} : memref<80xi32, #tpu.memory_space<vmem>>, vector<16xi32>,
      %dma_wait3A_165 = arith.constant 0 : i32
      %dma_wait3A_166 = arith.constant 0 : i32
      %dma_wait3A_167 = tpu.memref_slice %arg2[%dma_wait3A_165, %dma_wait3A_166] : memref<10000x128xf32, #tpu.memory_space<hbm>> -> memref<80x128xf32, #tpu.memory_space<hbm>>
      %dma_wait3A_168 = arith.constant 0 : i32
      %dma_wait3A_169 = arith.constant 0 : i32
      %dma_wait3A_170 = tpu.memref_slice %arg2[%dma_wait3A_168, %dma_wait3A_169] : memref<10000x128xf32, #tpu.memory_space<hbm>> -> memref<80x128xf32, #tpu.memory_space<hbm>>
      tpu.wait_dma2 semaphore(%arg13 : memref<!tpu.dma_semaphore, #tpu.memory_space<semaphore_mem>>) src(%dma_wait3A_170 : memref<80x128xf32, #tpu.memory_space<hbm>>) dst(%arg10 : memref<80x128xf32, #tpu.memory_space<vmem>>)
      "tpu.region"() ({
        %run_scoped3A = tpu.sem_alloc : memref<!tpu.dma_semaphore, #tpu.memory_space<semaphore_mem>>
        %dma_start3A_172 = arith.constant 0 : i32
        %dma_start3A_173 = arith.constant 0 : i32
        %dma_start3A_174 = tpu.memref_slice %arg11[%dma_start3A_172, %dma_start3A_173] : memref<10240x128xf32, #tpu.memory_space<vmem_shared>> -> memref<10240x128xf32, #tpu.memory_space<vmem_shared>>
        tpu.enqueue_indirect_dma source(%arg10 : memref<80x128xf32, #tpu.memory_space<vmem>>) target(%dma_start3A_174 : memref<10240x128xf32, #tpu.memory_space<vmem_shared>>) offsets(%arg8 : memref<80xi32, #tpu.memory_space<vmem>>) semaphore(%run_scoped3A : memref<!tpu.dma_semaphore, #tpu.memory_space<semaphore_mem>>) {add = true}
        %dma_wait3A_175 = arith.constant 0 : i32
        %dma_wait3A_176 = arith.constant 0 : i32
        %dma_wait3A_177 = tpu.memref_slice %arg11[%dma_wait3A_175, %dma_wait3A_176] : memref<10240x128xf32, #tpu.memory_space<vmem_shared>> -> memref<10240x128xf32, #tpu.memory_space<vmem_shared>>
        tpu.wait_indirect_dma semaphore(%run_scoped3A : memref<!tpu.dma_semaphore, #tpu.memory_space<semaphore_mem>>) src(%arg10 : memref<80x128xf32, #tpu.memory_space<vmem>>) dst(%dma_wait3A_177 : memref<10240x128xf32, #tpu.memory_space<vmem_shared>>)
        tpu.yield
      }) : () -> ()
      %scan3A_171 = arith.constant 0 : i32
      scf.yield %scan3A_171 : i32
    }
    %scan3A_44 = arith.constant 62 : i32
    %dma_wait3A = arith.constant 0 : i32
    %dma_wait3A_45 = arith.constant 0 : i32
    %dma_wait3A_46 = tpu.memref_slice %arg2[%dma_wait3A, %dma_wait3A_45] : memref<10000x128xf32, #tpu.memory_space<hbm>> -> memref<80x128xf32, #tpu.memory_space<hbm>>
    %dma_wait3A_47 = arith.constant 0 : i32
    %dma_wait3A_48 = arith.constant 0 : i32
    %dma_wait3A_49 = tpu.memref_slice %arg2[%dma_wait3A_47, %dma_wait3A_48] : memref<10000x128xf32, #tpu.memory_space<hbm>> -> memref<80x128xf32, #tpu.memory_space<hbm>>
    tpu.wait_dma2 semaphore(%arg12 : memref<!tpu.dma_semaphore, #tpu.memory_space<semaphore_mem>>) src(%dma_wait3A_49 : memref<80x128xf32, #tpu.memory_space<hbm>>) dst(%arg9 : memref<80x128xf32, #tpu.memory_space<vmem>>)
    "tpu.region"() ({
      %run_scoped3A = tpu.sem_alloc : memref<!tpu.dma_semaphore, #tpu.memory_space<semaphore_mem>>
      %dma_start3A_55 = arith.constant 0 : i32
      %dma_start3A_56 = arith.constant 0 : i32
      %dma_start3A_57 = tpu.memref_slice %arg11[%dma_start3A_55, %dma_start3A_56] : memref<10240x128xf32, #tpu.memory_space<vmem_shared>> -> memref<10240x128xf32, #tpu.memory_space<vmem_shared>>
      tpu.enqueue_indirect_dma source(%arg9 : memref<80x128xf32, #tpu.memory_space<vmem>>) target(%dma_start3A_57 : memref<10240x128xf32, #tpu.memory_space<vmem_shared>>) offsets(%arg7 : memref<80xi32, #tpu.memory_space<vmem>>) semaphore(%run_scoped3A : memref<!tpu.dma_semaphore, #tpu.memory_space<semaphore_mem>>) {add = true}
      %dma_wait3A_58 = arith.constant 0 : i32
      %dma_wait3A_59 = arith.constant 0 : i32
      %dma_wait3A_60 = tpu.memref_slice %arg11[%dma_wait3A_58, %dma_wait3A_59] : memref<10240x128xf32, #tpu.memory_space<vmem_shared>> -> memref<10240x128xf32, #tpu.memory_space<vmem_shared>>
      tpu.wait_indirect_dma semaphore(%run_scoped3A : memref<!tpu.dma_semaphore, #tpu.memory_space<semaphore_mem>>) src(%arg9 : memref<80x128xf32, #tpu.memory_space<vmem>>) dst(%dma_wait3A_60 : memref<10240x128xf32, #tpu.memory_space<vmem_shared>>)
      tpu.yield
    }) : () -> ()
    %barrier3A_50 = arith.constant 0 : index
    tpu.barrier barrier_id(%barrier3A_50)
    %mul3A_51 = arith.constant 640 : i32
    %mul3A_52 = arith.muli %arg1, %mul3A_51 : i32
    %mul3A_53 = arith.constant 640 : i32
    %mul3A_54 = arith.muli %arg1, %mul3A_53 : i32
    "tpu.region"() ({
      %run_scoped3A = tpu.sem_alloc : memref<!tpu.dma_semaphore, #tpu.memory_space<semaphore_mem>>
      %dma_start3A_55 = arith.constant 0 : i32
      %dma_start3A_56 = tpu.memref_slice %arg5[%arg0, %mul3A_54, %dma_start3A_55] : memref<2x10240x128xf32, #tpu.memory_space<hbm>> -> memref<1x640x128xf32, #tpu.memory_space<hbm>>
      %dma_start3A_57 = tpu.memref_squeeze %dma_start3A_56 : memref<1x640x128xf32, #tpu.memory_space<hbm>> -> memref<640x128xf32, #tpu.memory_space<hbm>>
      %dma_start3A_58 = arith.constant 0 : i32
      %dma_start3A_59 = tpu.memref_slice %arg11[%mul3A_52, %dma_start3A_58] : memref<10240x128xf32, #tpu.memory_space<vmem_shared>> -> memref<640x128xf32, #tpu.memory_space<vmem_shared>>
      tpu.enqueue_dma source(%dma_start3A_59 : memref<640x128xf32, #tpu.memory_space<vmem_shared>>) target(%dma_start3A_57 : memref<640x128xf32, #tpu.memory_space<hbm>>) target_semaphore(%run_scoped3A : memref<!tpu.dma_semaphore, #tpu.memory_space<semaphore_mem>>)
      %dma_wait3A_60 = arith.constant 0 : i32
      %dma_wait3A_61 = tpu.memref_slice %arg5[%arg0, %mul3A_54, %dma_wait3A_60] : memref<2x10240x128xf32, #tpu.memory_space<hbm>> -> memref<1x640x128xf32, #tpu.memory_space<hbm>>
      %dma_wait3A_62 = tpu.memref_squeeze %dma_wait3A_61 : memref<1x640x128xf32, #tpu.memory_space<hbm>> -> memref<640x128xf32, #tpu.memory_space<hbm>>
      %dma_wait3A_63 = arith.constant 0 : i32
      %dma_wait3A_64 = tpu.memref_slice %arg11[%mul3A_52, %dma_wait3A_63] : memref<10240x128xf32, #tpu.memory_space<vmem_shared>> -> memref<640x128xf32, #tpu.memory_space<vmem_shared>>
      tpu.wait_dma2 semaphore(%run_scoped3A : memref<!tpu.dma_semaphore, #tpu.memory_space<semaphore_mem>>) src(%dma_wait3A_64 : memref<640x128xf32, #tpu.memory_space<vmem_shared>>) dst(%dma_wait3A_62 : memref<640x128xf32, #tpu.memory_space<hbm>>)
      tpu.yield
    }) : () -> ()
    return
  }
}

#map = affine_map<(d0, d1) -> (0, 0)>
#map1 = affine_map<(d0, d1) -> (0)>
#map2 = affine_map<(d0, d1) -> (0, 0, 0)>
module attributes {stable_mosaic.version = 14 : i64} {
  func.func @sc_aggregate(%arg0: i32, %arg1: i32, %arg2: memref<10000x128xf32, #tpu.memory_space<hbm>>, %arg3: memref<320000xi32, #tpu.memory_space<hbm>>, %arg4: memref<320000xi32, #tpu.memory_space<hbm>>, %arg5: memref<2x10240x128xf32, #tpu.memory_space<hbm>>, %arg6: memref<327680xf32, #tpu.memory_space<hbm>>, %arg7: memref<10000xi32, #tpu.memory_space<vmem>>, %arg8: memref<80xi32, #tpu.memory_space<vmem>>, %arg9: memref<80xi32, #tpu.memory_space<vmem>>, %arg10: memref<80x128xf32, #tpu.memory_space<vmem>>, %arg11: memref<80x128xf32, #tpu.memory_space<vmem>>, %arg12: memref<10240x128xf32, #tpu.memory_space<vmem_shared>>, %arg13: memref<!tpu.dma_semaphore, #tpu.memory_space<semaphore_mem>>, %arg14: memref<!tpu.dma_semaphore, #tpu.memory_space<semaphore_mem>>, %arg15: memref<10240xf32, #tpu.memory_space<vmem>>, %arg16: memref<!tpu.dma_semaphore, #tpu.memory_space<semaphore_mem>>, %arg17: memref<!tpu.dma_semaphore, #tpu.memory_space<semaphore_mem>>) attributes {dimension_semantics = [#tpu.dimension_semantics<core_parallel>, #tpu.dimension_semantics<subcore_parallel>], iteration_bounds = array<i64: 2, 16>, scalar_prefetch = 0 : i64, scratch_operands = 11 : i64, tpu.core_type = #tpu.core_type<sc_vector_subcore>, window_params = [{transform_indices = #map}, {transform_indices = #map1}, {transform_indices = #map1}, {transform_indices = #map2}, {transform_indices = #map1}]} {
    %mul3A = arith.constant 16 : i32
    %mul3A_0 = arith.muli %arg0, %mul3A : i32
    %add3A = arith.addi %mul3A_0, %arg1 : i32
    %mul3A_1 = arith.constant 10000 : i32
    %mul3A_2 = arith.muli %add3A, %mul3A_1 : i32
    "tpu.region"() ({
      %run_scoped3A = tpu.sem_alloc : memref<!tpu.dma_semaphore, #tpu.memory_space<semaphore_mem>>
      %dma_start3A_64 = tpu.memref_slice %arg3[%mul3A_2] : memref<320000xi32, #tpu.memory_space<hbm>> -> memref<10000xi32, #tpu.memory_space<hbm>>
      %dma_start3A_65 = tpu.memref_slice %arg3[%mul3A_2] : memref<320000xi32, #tpu.memory_space<hbm>> -> memref<10000xi32, #tpu.memory_space<hbm>>
      tpu.enqueue_dma source(%dma_start3A_65 : memref<10000xi32, #tpu.memory_space<hbm>>) target(%arg7 : memref<10000xi32, #tpu.memory_space<vmem>>) target_semaphore(%run_scoped3A : memref<!tpu.dma_semaphore, #tpu.memory_space<semaphore_mem>>)
      %dma_wait3A_66 = tpu.memref_slice %arg3[%mul3A_2] : memref<320000xi32, #tpu.memory_space<hbm>> -> memref<10000xi32, #tpu.memory_space<hbm>>
      %dma_wait3A_67 = tpu.memref_slice %arg3[%mul3A_2] : memref<320000xi32, #tpu.memory_space<hbm>> -> memref<10000xi32, #tpu.memory_space<hbm>>
      tpu.wait_dma2 semaphore(%run_scoped3A : memref<!tpu.dma_semaphore, #tpu.memory_space<semaphore_mem>>) src(%dma_wait3A_67 : memref<10000xi32, #tpu.memory_space<hbm>>) dst(%arg7 : memref<10000xi32, #tpu.memory_space<vmem>>)
      tpu.yield
    }) : () -> ()
    %scan3A = arith.constant 0 : i32
    %scan3A_3 = arith.constant 0 : i32
    %scan3A_4 = arith.constant 80 : i32
    %scan3A_5 = arith.addi %scan3A_3, %scan3A_4 : i32
    %scan3A_6 = arith.constant 1 : i32
    %scan3A_7 = scf.for %scan3A_64 = %scan3A_3 to %scan3A_5 step %scan3A_6 iter_args(%scan3A_65 = %scan3A) -> (i32)  : i32 {
      %scan3A_66 = arith.constant 0 : i32
      %scan3A_67 = arith.constant 0 : i32
      %scan3A_68 = arith.constant 8 : i32
      %scan3A_69 = arith.addi %scan3A_67, %scan3A_68 : i32
      %scan3A_70 = arith.constant 1 : i32
      %scan3A_71 = scf.for %scan3A_73 = %scan3A_67 to %scan3A_69 step %scan3A_70 iter_args(%scan3A_74 = %scan3A_66) -> (i32)  : i32 {
        %broadcast_in_dim3A_75 = arith.constant 0.000000e+00 : f32
        %broadcast_in_dim3A_76 = vector.broadcast %broadcast_in_dim3A_75 : f32 to vector<16xf32>
        %mul3A_77 = arith.constant 16 : i32
        %mul3A_78 = arith.muli %scan3A_73, %mul3A_77 : i32
        %swap3A = arith.index_cast %scan3A_64 : i32 to index
        %swap3A_79 = arith.index_cast %mul3A_78 : i32 to index
        %swap3A_80 = tpu.vector_load %arg10[%swap3A, %swap3A_79] {strides = array<i32>} : memref<80x128xf32, #tpu.memory_space<vmem>>, vector<16xf32>,
        tpu.vector_store %arg10[%swap3A, %swap3A_79], %broadcast_in_dim3A_76 {strides = array<i32>} : memref<80x128xf32, #tpu.memory_space<vmem>>, vector<16xf32>,
        %scan3A_81 = arith.constant 0 : i32
        scf.yield %scan3A_81 : i32
      }
      %scan3A_72 = arith.constant 8 : i32
      scf.yield %scan3A_71 : i32
    }
    %scan3A_8 = arith.constant 80 : i32
    %scan3A_9 = arith.constant 0 : i32
    %scan3A_10 = arith.constant 0 : i32
    %scan3A_11 = arith.constant 8 : i32
    %scan3A_12 = arith.addi %scan3A_10, %scan3A_11 : i32
    %scan3A_13 = arith.constant 1 : i32
    %scan3A_14 = scf.for %scan3A_64 = %scan3A_10 to %scan3A_12 step %scan3A_13 iter_args(%scan3A_65 = %scan3A_9) -> (i32)  : i32 {
      %mul3A_66 = arith.constant 640 : i32
      %mul3A_67 = arith.muli %arg1, %mul3A_66 : i32
      %mul3A_68 = arith.constant 80 : i32
      %mul3A_69 = arith.muli %scan3A_64, %mul3A_68 : i32
      %add3A_70 = arith.addi %mul3A_67, %mul3A_69 : i32
      "tpu.region"() ({
        %run_scoped3A = tpu.sem_alloc : memref<!tpu.dma_semaphore, #tpu.memory_space<semaphore_mem>>
        %dma_start3A_72 = arith.constant 0 : i32
        %dma_start3A_73 = tpu.memref_slice %arg12[%add3A_70, %dma_start3A_72] : memref<10240x128xf32, #tpu.memory_space<vmem_shared>> -> memref<80x128xf32, #tpu.memory_space<vmem_shared>>
        %dma_start3A_74 = arith.constant 0 : i32
        %dma_start3A_75 = tpu.memref_slice %arg12[%add3A_70, %dma_start3A_74] : memref<10240x128xf32, #tpu.memory_space<vmem_shared>> -> memref<80x128xf32, #tpu.memory_space<vmem_shared>>
        tpu.enqueue_dma source(%arg10 : memref<80x128xf32, #tpu.memory_space<vmem>>) target(%dma_start3A_75 : memref<80x128xf32, #tpu.memory_space<vmem_shared>>) target_semaphore(%run_scoped3A : memref<!tpu.dma_semaphore, #tpu.memory_space<semaphore_mem>>)
        %dma_wait3A_76 = arith.constant 0 : i32
        %dma_wait3A_77 = tpu.memref_slice %arg12[%add3A_70, %dma_wait3A_76] : memref<10240x128xf32, #tpu.memory_space<vmem_shared>> -> memref<80x128xf32, #tpu.memory_space<vmem_shared>>
        %dma_wait3A_78 = arith.constant 0 : i32
        %dma_wait3A_79 = tpu.memref_slice %arg12[%add3A_70, %dma_wait3A_78] : memref<10240x128xf32, #tpu.memory_space<vmem_shared>> -> memref<80x128xf32, #tpu.memory_space<vmem_shared>>
        tpu.wait_dma2 semaphore(%run_scoped3A : memref<!tpu.dma_semaphore, #tpu.memory_space<semaphore_mem>>) src(%arg10 : memref<80x128xf32, #tpu.memory_space<vmem>>) dst(%dma_wait3A_79 : memref<80x128xf32, #tpu.memory_space<vmem_shared>>)
        tpu.yield
      }) : () -> ()
      %scan3A_71 = arith.constant 0 : i32
      scf.yield %scan3A_71 : i32
    }
    %scan3A_15 = arith.constant 8 : i32
    %scan3A_16 = arith.constant 0 : i32
    %scan3A_17 = arith.constant 0 : i32
    %scan3A_18 = arith.constant 640 : i32
    %scan3A_19 = arith.addi %scan3A_17, %scan3A_18 : i32
    %scan3A_20 = arith.constant 1 : i32
    %scan3A_21 = scf.for %scan3A_64 = %scan3A_17 to %scan3A_19 step %scan3A_20 iter_args(%scan3A_65 = %scan3A_16) -> (i32)  : i32 {
      %broadcast_in_dim3A_66 = arith.constant 0.000000e+00 : f32
      %broadcast_in_dim3A_67 = vector.broadcast %broadcast_in_dim3A_66 : f32 to vector<16xf32>
      %mul3A_68 = arith.constant 16 : i32
      %mul3A_69 = arith.muli %scan3A_64, %mul3A_68 : i32
      %swap3A = arith.index_cast %mul3A_69 : i32 to index
      %swap3A_70 = tpu.vector_load %arg15[%swap3A] {strides = array<i32>} : memref<10240xf32, #tpu.memory_space<vmem>>, vector<16xf32>,
      tpu.vector_store %arg15[%swap3A], %broadcast_in_dim3A_67 {strides = array<i32>} : memref<10240xf32, #tpu.memory_space<vmem>>, vector<16xf32>,
      %scan3A_71 = arith.constant 0 : i32
      scf.yield %scan3A_71 : i32
    }
    %scan3A_22 = arith.constant 640 : i32
    %broadcast_in_dim3A = arith.constant 1.000000e+00 : f32
    %broadcast_in_dim3A_23 = vector.broadcast %broadcast_in_dim3A : f32 to vector<16xf32>
    %barrier3A = arith.constant 0 : index
    tpu.barrier barrier_id(%barrier3A)
    %dma_start3A = arith.constant 0 : i32
    %dma_start3A_24 = tpu.memref_slice %arg7[%dma_start3A] : memref<10000xi32, #tpu.memory_space<vmem>> -> memref<80xi32, #tpu.memory_space<vmem>>
    %dma_start3A_25 = arith.constant 0 : i32
    %dma_start3A_26 = arith.constant 0 : i32
    %dma_start3A_27 = tpu.memref_slice %arg2[%dma_start3A_25, %dma_start3A_26] : memref<10000x128xf32, #tpu.memory_space<hbm>> -> memref<10000x128xf32, #tpu.memory_space<hbm>>
    tpu.enqueue_indirect_dma source(%dma_start3A_27 : memref<10000x128xf32, #tpu.memory_space<hbm>>) target(%arg10 : memref<80x128xf32, #tpu.memory_space<vmem>>) offsets(%dma_start3A_24 : memref<80xi32, #tpu.memory_space<vmem>>) semaphore(%arg13 : memref<!tpu.dma_semaphore, #tpu.memory_space<semaphore_mem>>)
    %add3A_28 = arith.constant 0 : i32
    %add3A_29 = arith.addi %mul3A_2, %add3A_28 : i32
    %dma_start3A_30 = tpu.memref_slice %arg4[%add3A_29] : memref<320000xi32, #tpu.memory_space<hbm>> -> memref<80xi32, #tpu.memory_space<hbm>>
    %dma_start3A_31 = tpu.memref_slice %arg4[%add3A_29] : memref<320000xi32, #tpu.memory_space<hbm>> -> memref<80xi32, #tpu.memory_space<hbm>>
    tpu.enqueue_dma source(%dma_start3A_31 : memref<80xi32, #tpu.memory_space<hbm>>) target(%arg8 : memref<80xi32, #tpu.memory_space<vmem>>) target_semaphore(%arg16 : memref<!tpu.dma_semaphore, #tpu.memory_space<semaphore_mem>>)
    %scan3A_32 = arith.constant 0 : i32
    %scan3A_33 = arith.constant 0 : i32
    %scan3A_34 = arith.constant 62 : i32
    %scan3A_35 = arith.addi %scan3A_33, %scan3A_34 : i32
    %scan3A_36 = arith.constant 1 : i32
    %scan3A_37 = scf.for %scan3A_64 = %scan3A_33 to %scan3A_35 step %scan3A_36 iter_args(%scan3A_65 = %scan3A_32) -> (i32)  : i32 {
      %mul3A_66 = arith.constant 2 : i32
      %mul3A_67 = arith.muli %mul3A_66, %scan3A_64 : i32
      %add3A_68 = arith.constant 1 : i32
      %add3A_69 = arith.addi %mul3A_67, %add3A_68 : i32
      %mul3A_70 = arith.constant 80 : i32
      %mul3A_71 = arith.muli %add3A_69, %mul3A_70 : i32
      %dma_start3A_72 = tpu.memref_slice %arg7[%mul3A_71] : memref<10000xi32, #tpu.memory_space<vmem>> -> memref<80xi32, #tpu.memory_space<vmem>>
      %dma_start3A_73 = arith.constant 0 : i32
      %dma_start3A_74 = arith.constant 0 : i32
      %dma_start3A_75 = tpu.memref_slice %arg2[%dma_start3A_73, %dma_start3A_74] : memref<10000x128xf32, #tpu.memory_space<hbm>> -> memref<10000x128xf32, #tpu.memory_space<hbm>>
      tpu.enqueue_indirect_dma source(%dma_start3A_75 : memref<10000x128xf32, #tpu.memory_space<hbm>>) target(%arg11 : memref<80x128xf32, #tpu.memory_space<vmem>>) offsets(%dma_start3A_72 : memref<80xi32, #tpu.memory_space<vmem>>) semaphore(%arg14 : memref<!tpu.dma_semaphore, #tpu.memory_space<semaphore_mem>>)
      %add3A_76 = arith.constant 1 : i32
      %add3A_77 = arith.addi %mul3A_67, %add3A_76 : i32
      %mul3A_78 = arith.constant 80 : i32
      %mul3A_79 = arith.muli %add3A_77, %mul3A_78 : i32
      %add3A_80 = arith.addi %mul3A_2, %mul3A_79 : i32
      %dma_start3A_81 = tpu.memref_slice %arg4[%add3A_80] : memref<320000xi32, #tpu.memory_space<hbm>> -> memref<80xi32, #tpu.memory_space<hbm>>
      %dma_start3A_82 = tpu.memref_slice %arg4[%add3A_80] : memref<320000xi32, #tpu.memory_space<hbm>> -> memref<80xi32, #tpu.memory_space<hbm>>
      tpu.enqueue_dma source(%dma_start3A_82 : memref<80xi32, #tpu.memory_space<hbm>>) target(%arg9 : memref<80xi32, #tpu.memory_space<vmem>>) target_semaphore(%arg17 : memref<!tpu.dma_semaphore, #tpu.memory_space<semaphore_mem>>)
      %dma_wait3A_83 = arith.constant 0 : i32
      %dma_wait3A_84 = arith.constant 0 : i32
      %dma_wait3A_85 = tpu.memref_slice %arg2[%dma_wait3A_83, %dma_wait3A_84] : memref<10000x128xf32, #tpu.memory_space<hbm>> -> memref<80x128xf32, #tpu.memory_space<hbm>>
      %dma_wait3A_86 = arith.constant 0 : i32
      %dma_wait3A_87 = arith.constant 0 : i32
      %dma_wait3A_88 = tpu.memref_slice %arg2[%dma_wait3A_86, %dma_wait3A_87] : memref<10000x128xf32, #tpu.memory_space<hbm>> -> memref<80x128xf32, #tpu.memory_space<hbm>>
      tpu.wait_dma2 semaphore(%arg13 : memref<!tpu.dma_semaphore, #tpu.memory_space<semaphore_mem>>) src(%dma_wait3A_88 : memref<80x128xf32, #tpu.memory_space<hbm>>) dst(%arg10 : memref<80x128xf32, #tpu.memory_space<vmem>>)
      %dma_wait3A_89 = arith.constant 0 : i32
      %dma_wait3A_90 = tpu.memref_slice %arg4[%dma_wait3A_89] : memref<320000xi32, #tpu.memory_space<hbm>> -> memref<80xi32, #tpu.memory_space<hbm>>
      %dma_wait3A_91 = arith.constant 0 : i32
      %dma_wait3A_92 = tpu.memref_slice %arg4[%dma_wait3A_91] : memref<320000xi32, #tpu.memory_space<hbm>> -> memref<80xi32, #tpu.memory_space<hbm>>
      tpu.wait_dma2 semaphore(%arg16 : memref<!tpu.dma_semaphore, #tpu.memory_space<semaphore_mem>>) src(%dma_wait3A_92 : memref<80xi32, #tpu.memory_space<hbm>>) dst(%arg8 : memref<80xi32, #tpu.memory_space<vmem>>)
      %get3A_93 = arith.constant 0 : index
      %get3A_94 = tpu.vector_load %arg8[%get3A_93] {strides = array<i32>} : memref<80xi32, #tpu.memory_space<vmem>>, vector<16xi32>,
      tpu.vector_store_idx %arg15[%get3A_94], %broadcast_in_dim3A_23 {add = true} : memref<10240xf32, #tpu.memory_space<vmem>>[vector<16xi32>], vector<16xf32>,
      %get3A_95 = arith.constant 16 : index
      %get3A_96 = tpu.vector_load %arg8[%get3A_95] {strides = array<i32>} : memref<80xi32, #tpu.memory_space<vmem>>, vector<16xi32>,
      tpu.vector_store_idx %arg15[%get3A_96], %broadcast_in_dim3A_23 {add = true} : memref<10240xf32, #tpu.memory_space<vmem>>[vector<16xi32>], vector<16xf32>,
      %get3A_97 = arith.constant 32 : index
      %get3A_98 = tpu.vector_load %arg8[%get3A_97] {strides = array<i32>} : memref<80xi32, #tpu.memory_space<vmem>>, vector<16xi32>,
      tpu.vector_store_idx %arg15[%get3A_98], %broadcast_in_dim3A_23 {add = true} : memref<10240xf32, #tpu.memory_space<vmem>>[vector<16xi32>], vector<16xf32>,
      %get3A_99 = arith.constant 48 : index
      %get3A_100 = tpu.vector_load %arg8[%get3A_99] {strides = array<i32>} : memref<80xi32, #tpu.memory_space<vmem>>, vector<16xi32>,
      tpu.vector_store_idx %arg15[%get3A_100], %broadcast_in_dim3A_23 {add = true} : memref<10240xf32, #tpu.memory_space<vmem>>[vector<16xi32>], vector<16xf32>,
      %get3A_101 = arith.constant 64 : index
      %get3A_102 = tpu.vector_load %arg8[%get3A_101] {strides = array<i32>} : memref<80xi32, #tpu.memory_space<vmem>>, vector<16xi32>,
      tpu.vector_store_idx %arg15[%get3A_102], %broadcast_in_dim3A_23 {add = true} : memref<10240xf32, #tpu.memory_space<vmem>>[vector<16xi32>], vector<16xf32>,
      "tpu.region"() ({
        %run_scoped3A = tpu.sem_alloc : memref<!tpu.dma_semaphore, #tpu.memory_space<semaphore_mem>>
        %dma_start3A_139 = arith.constant 0 : i32
        %dma_start3A_140 = arith.constant 0 : i32
        %dma_start3A_141 = tpu.memref_slice %arg12[%dma_start3A_139, %dma_start3A_140] : memref<10240x128xf32, #tpu.memory_space<vmem_shared>> -> memref<10240x128xf32, #tpu.memory_space<vmem_shared>>
        tpu.enqueue_indirect_dma source(%arg10 : memref<80x128xf32, #tpu.memory_space<vmem>>) target(%dma_start3A_141 : memref<10240x128xf32, #tpu.memory_space<vmem_shared>>) offsets(%arg8 : memref<80xi32, #tpu.memory_space<vmem>>) semaphore(%run_scoped3A : memref<!tpu.dma_semaphore, #tpu.memory_space<semaphore_mem>>) {add = true}
        %dma_wait3A_142 = arith.constant 0 : i32
        %dma_wait3A_143 = arith.constant 0 : i32
        %dma_wait3A_144 = tpu.memref_slice %arg12[%dma_wait3A_142, %dma_wait3A_143] : memref<10240x128xf32, #tpu.memory_space<vmem_shared>> -> memref<10240x128xf32, #tpu.memory_space<vmem_shared>>
        tpu.wait_indirect_dma semaphore(%run_scoped3A : memref<!tpu.dma_semaphore, #tpu.memory_space<semaphore_mem>>) src(%arg10 : memref<80x128xf32, #tpu.memory_space<vmem>>) dst(%dma_wait3A_144 : memref<10240x128xf32, #tpu.memory_space<vmem_shared>>)
        tpu.yield
      }) : () -> ()
      %add3A_103 = arith.constant 2 : i32
      %add3A_104 = arith.addi %mul3A_67, %add3A_103 : i32
      %mul3A_105 = arith.constant 80 : i32
      %mul3A_106 = arith.muli %add3A_104, %mul3A_105 : i32
      %dma_start3A_107 = tpu.memref_slice %arg7[%mul3A_106] : memref<10000xi32, #tpu.memory_space<vmem>> -> memref<80xi32, #tpu.memory_space<vmem>>
      %dma_start3A_108 = arith.constant 0 : i32
      %dma_start3A_109 = arith.constant 0 : i32
      %dma_start3A_110 = tpu.memref_slice %arg2[%dma_start3A_108, %dma_start3A_109] : memref<10000x128xf32, #tpu.memory_space<hbm>> -> memref<10000x128xf32, #tpu.memory_space<hbm>>
      tpu.enqueue_indirect_dma source(%dma_start3A_110 : memref<10000x128xf32, #tpu.memory_space<hbm>>) target(%arg10 : memref<80x128xf32, #tpu.memory_space<vmem>>) offsets(%dma_start3A_107 : memref<80xi32, #tpu.memory_space<vmem>>) semaphore(%arg13 : memref<!tpu.dma_semaphore, #tpu.memory_space<semaphore_mem>>)
      %add3A_111 = arith.constant 2 : i32
      %add3A_112 = arith.addi %mul3A_67, %add3A_111 : i32
      %mul3A_113 = arith.constant 80 : i32
      %mul3A_114 = arith.muli %add3A_112, %mul3A_113 : i32
      %add3A_115 = arith.addi %mul3A_2, %mul3A_114 : i32
      %dma_start3A_116 = tpu.memref_slice %arg4[%add3A_115] : memref<320000xi32, #tpu.memory_space<hbm>> -> memref<80xi32, #tpu.memory_space<hbm>>
      %dma_start3A_117 = tpu.memref_slice %arg4[%add3A_115] : memref<320000xi32, #tpu.memory_space<hbm>> -> memref<80xi32, #tpu.memory_space<hbm>>
      tpu.enqueue_dma source(%dma_start3A_117 : memref<80xi32, #tpu.memory_space<hbm>>) target(%arg8 : memref<80xi32, #tpu.memory_space<vmem>>) target_semaphore(%arg16 : memref<!tpu.dma_semaphore, #tpu.memory_space<semaphore_mem>>)
      %dma_wait3A_118 = arith.constant 0 : i32
      %dma_wait3A_119 = arith.constant 0 : i32
      %dma_wait3A_120 = tpu.memref_slice %arg2[%dma_wait3A_118, %dma_wait3A_119] : memref<10000x128xf32, #tpu.memory_space<hbm>> -> memref<80x128xf32, #tpu.memory_space<hbm>>
      %dma_wait3A_121 = arith.constant 0 : i32
      %dma_wait3A_122 = arith.constant 0 : i32
      %dma_wait3A_123 = tpu.memref_slice %arg2[%dma_wait3A_121, %dma_wait3A_122] : memref<10000x128xf32, #tpu.memory_space<hbm>> -> memref<80x128xf32, #tpu.memory_space<hbm>>
      tpu.wait_dma2 semaphore(%arg14 : memref<!tpu.dma_semaphore, #tpu.memory_space<semaphore_mem>>) src(%dma_wait3A_123 : memref<80x128xf32, #tpu.memory_space<hbm>>) dst(%arg11 : memref<80x128xf32, #tpu.memory_space<vmem>>)
      %dma_wait3A_124 = arith.constant 0 : i32
      %dma_wait3A_125 = tpu.memref_slice %arg4[%dma_wait3A_124] : memref<320000xi32, #tpu.memory_space<hbm>> -> memref<80xi32, #tpu.memory_space<hbm>>
      %dma_wait3A_126 = arith.constant 0 : i32
      %dma_wait3A_127 = tpu.memref_slice %arg4[%dma_wait3A_126] : memref<320000xi32, #tpu.memory_space<hbm>> -> memref<80xi32, #tpu.memory_space<hbm>>
      tpu.wait_dma2 semaphore(%arg17 : memref<!tpu.dma_semaphore, #tpu.memory_space<semaphore_mem>>) src(%dma_wait3A_127 : memref<80xi32, #tpu.memory_space<hbm>>) dst(%arg9 : memref<80xi32, #tpu.memory_space<vmem>>)
      %get3A_128 = arith.constant 0 : index
      %get3A_129 = tpu.vector_load %arg9[%get3A_128] {strides = array<i32>} : memref<80xi32, #tpu.memory_space<vmem>>, vector<16xi32>,
      tpu.vector_store_idx %arg15[%get3A_129], %broadcast_in_dim3A_23 {add = true} : memref<10240xf32, #tpu.memory_space<vmem>>[vector<16xi32>], vector<16xf32>,
      %get3A_130 = arith.constant 16 : index
      %get3A_131 = tpu.vector_load %arg9[%get3A_130] {strides = array<i32>} : memref<80xi32, #tpu.memory_space<vmem>>, vector<16xi32>,
      tpu.vector_store_idx %arg15[%get3A_131], %broadcast_in_dim3A_23 {add = true} : memref<10240xf32, #tpu.memory_space<vmem>>[vector<16xi32>], vector<16xf32>,
      %get3A_132 = arith.constant 32 : index
      %get3A_133 = tpu.vector_load %arg9[%get3A_132] {strides = array<i32>} : memref<80xi32, #tpu.memory_space<vmem>>, vector<16xi32>,
      tpu.vector_store_idx %arg15[%get3A_133], %broadcast_in_dim3A_23 {add = true} : memref<10240xf32, #tpu.memory_space<vmem>>[vector<16xi32>], vector<16xf32>,
      %get3A_134 = arith.constant 48 : index
      %get3A_135 = tpu.vector_load %arg9[%get3A_134] {strides = array<i32>} : memref<80xi32, #tpu.memory_space<vmem>>, vector<16xi32>,
      tpu.vector_store_idx %arg15[%get3A_135], %broadcast_in_dim3A_23 {add = true} : memref<10240xf32, #tpu.memory_space<vmem>>[vector<16xi32>], vector<16xf32>,
      %get3A_136 = arith.constant 64 : index
      %get3A_137 = tpu.vector_load %arg9[%get3A_136] {strides = array<i32>} : memref<80xi32, #tpu.memory_space<vmem>>, vector<16xi32>,
      tpu.vector_store_idx %arg15[%get3A_137], %broadcast_in_dim3A_23 {add = true} : memref<10240xf32, #tpu.memory_space<vmem>>[vector<16xi32>], vector<16xf32>,
      "tpu.region"() ({
        %run_scoped3A = tpu.sem_alloc : memref<!tpu.dma_semaphore, #tpu.memory_space<semaphore_mem>>
        %dma_start3A_139 = arith.constant 0 : i32
        %dma_start3A_140 = arith.constant 0 : i32
        %dma_start3A_141 = tpu.memref_slice %arg12[%dma_start3A_139, %dma_start3A_140] : memref<10240x128xf32, #tpu.memory_space<vmem_shared>> -> memref<10240x128xf32, #tpu.memory_space<vmem_shared>>
        tpu.enqueue_indirect_dma source(%arg11 : memref<80x128xf32, #tpu.memory_space<vmem>>) target(%dma_start3A_141 : memref<10240x128xf32, #tpu.memory_space<vmem_shared>>) offsets(%arg9 : memref<80xi32, #tpu.memory_space<vmem>>) semaphore(%run_scoped3A : memref<!tpu.dma_semaphore, #tpu.memory_space<semaphore_mem>>) {add = true}
        %dma_wait3A_142 = arith.constant 0 : i32
        %dma_wait3A_143 = arith.constant 0 : i32
        %dma_wait3A_144 = tpu.memref_slice %arg12[%dma_wait3A_142, %dma_wait3A_143] : memref<10240x128xf32, #tpu.memory_space<vmem_shared>> -> memref<10240x128xf32, #tpu.memory_space<vmem_shared>>
        tpu.wait_indirect_dma semaphore(%run_scoped3A : memref<!tpu.dma_semaphore, #tpu.memory_space<semaphore_mem>>) src(%arg11 : memref<80x128xf32, #tpu.memory_space<vmem>>) dst(%dma_wait3A_144 : memref<10240x128xf32, #tpu.memory_space<vmem_shared>>)
        tpu.yield
      }) : () -> ()
      %scan3A_138 = arith.constant 0 : i32
      scf.yield %scan3A_138 : i32
    }
    %scan3A_38 = arith.constant 62 : i32
    %dma_wait3A = arith.constant 0 : i32
    %dma_wait3A_39 = arith.constant 0 : i32
    %dma_wait3A_40 = tpu.memref_slice %arg2[%dma_wait3A, %dma_wait3A_39] : memref<10000x128xf32, #tpu.memory_space<hbm>> -> memref<80x128xf32, #tpu.memory_space<hbm>>
    %dma_wait3A_41 = arith.constant 0 : i32
    %dma_wait3A_42 = arith.constant 0 : i32
    %dma_wait3A_43 = tpu.memref_slice %arg2[%dma_wait3A_41, %dma_wait3A_42] : memref<10000x128xf32, #tpu.memory_space<hbm>> -> memref<80x128xf32, #tpu.memory_space<hbm>>
    tpu.wait_dma2 semaphore(%arg13 : memref<!tpu.dma_semaphore, #tpu.memory_space<semaphore_mem>>) src(%dma_wait3A_43 : memref<80x128xf32, #tpu.memory_space<hbm>>) dst(%arg10 : memref<80x128xf32, #tpu.memory_space<vmem>>)
    %dma_wait3A_44 = arith.constant 0 : i32
    %dma_wait3A_45 = tpu.memref_slice %arg4[%dma_wait3A_44] : memref<320000xi32, #tpu.memory_space<hbm>> -> memref<80xi32, #tpu.memory_space<hbm>>
    %dma_wait3A_46 = arith.constant 0 : i32
    %dma_wait3A_47 = tpu.memref_slice %arg4[%dma_wait3A_46] : memref<320000xi32, #tpu.memory_space<hbm>> -> memref<80xi32, #tpu.memory_space<hbm>>
    tpu.wait_dma2 semaphore(%arg16 : memref<!tpu.dma_semaphore, #tpu.memory_space<semaphore_mem>>) src(%dma_wait3A_47 : memref<80xi32, #tpu.memory_space<hbm>>) dst(%arg8 : memref<80xi32, #tpu.memory_space<vmem>>)
    %get3A = arith.constant 0 : index
    %get3A_48 = tpu.vector_load %arg8[%get3A] {strides = array<i32>} : memref<80xi32, #tpu.memory_space<vmem>>, vector<16xi32>,
    tpu.vector_store_idx %arg15[%get3A_48], %broadcast_in_dim3A_23 {add = true} : memref<10240xf32, #tpu.memory_space<vmem>>[vector<16xi32>], vector<16xf32>,
    %get3A_49 = arith.constant 16 : index
    %get3A_50 = tpu.vector_load %arg8[%get3A_49] {strides = array<i32>} : memref<80xi32, #tpu.memory_space<vmem>>, vector<16xi32>,
    tpu.vector_store_idx %arg15[%get3A_50], %broadcast_in_dim3A_23 {add = true} : memref<10240xf32, #tpu.memory_space<vmem>>[vector<16xi32>], vector<16xf32>,
    %get3A_51 = arith.constant 32 : index
    %get3A_52 = tpu.vector_load %arg8[%get3A_51] {strides = array<i32>} : memref<80xi32, #tpu.memory_space<vmem>>, vector<16xi32>,
    tpu.vector_store_idx %arg15[%get3A_52], %broadcast_in_dim3A_23 {add = true} : memref<10240xf32, #tpu.memory_space<vmem>>[vector<16xi32>], vector<16xf32>,
    %get3A_53 = arith.constant 48 : index
    %get3A_54 = tpu.vector_load %arg8[%get3A_53] {strides = array<i32>} : memref<80xi32, #tpu.memory_space<vmem>>, vector<16xi32>,
    tpu.vector_store_idx %arg15[%get3A_54], %broadcast_in_dim3A_23 {add = true} : memref<10240xf32, #tpu.memory_space<vmem>>[vector<16xi32>], vector<16xf32>,
    %get3A_55 = arith.constant 64 : index
    %get3A_56 = tpu.vector_load %arg8[%get3A_55] {strides = array<i32>} : memref<80xi32, #tpu.memory_space<vmem>>, vector<16xi32>,
    tpu.vector_store_idx %arg15[%get3A_56], %broadcast_in_dim3A_23 {add = true} : memref<10240xf32, #tpu.memory_space<vmem>>[vector<16xi32>], vector<16xf32>,
    "tpu.region"() ({
      %run_scoped3A = tpu.sem_alloc : memref<!tpu.dma_semaphore, #tpu.memory_space<semaphore_mem>>
      %dma_start3A_64 = arith.constant 0 : i32
      %dma_start3A_65 = arith.constant 0 : i32
      %dma_start3A_66 = tpu.memref_slice %arg12[%dma_start3A_64, %dma_start3A_65] : memref<10240x128xf32, #tpu.memory_space<vmem_shared>> -> memref<10240x128xf32, #tpu.memory_space<vmem_shared>>
      tpu.enqueue_indirect_dma source(%arg10 : memref<80x128xf32, #tpu.memory_space<vmem>>) target(%dma_start3A_66 : memref<10240x128xf32, #tpu.memory_space<vmem_shared>>) offsets(%arg8 : memref<80xi32, #tpu.memory_space<vmem>>) semaphore(%run_scoped3A : memref<!tpu.dma_semaphore, #tpu.memory_space<semaphore_mem>>) {add = true}
      %dma_wait3A_67 = arith.constant 0 : i32
      %dma_wait3A_68 = arith.constant 0 : i32
      %dma_wait3A_69 = tpu.memref_slice %arg12[%dma_wait3A_67, %dma_wait3A_68] : memref<10240x128xf32, #tpu.memory_space<vmem_shared>> -> memref<10240x128xf32, #tpu.memory_space<vmem_shared>>
      tpu.wait_indirect_dma semaphore(%run_scoped3A : memref<!tpu.dma_semaphore, #tpu.memory_space<semaphore_mem>>) src(%arg10 : memref<80x128xf32, #tpu.memory_space<vmem>>) dst(%dma_wait3A_69 : memref<10240x128xf32, #tpu.memory_space<vmem_shared>>)
      tpu.yield
    }) : () -> ()
    %mul3A_57 = arith.constant 10240 : i32
    %mul3A_58 = arith.muli %add3A, %mul3A_57 : i32
    "tpu.region"() ({
      %run_scoped3A = tpu.sem_alloc : memref<!tpu.dma_semaphore, #tpu.memory_space<semaphore_mem>>
      %dma_start3A_64 = tpu.memref_slice %arg6[%mul3A_58] : memref<327680xf32, #tpu.memory_space<hbm>> -> memref<10240xf32, #tpu.memory_space<hbm>>
      %dma_start3A_65 = tpu.memref_slice %arg6[%mul3A_58] : memref<327680xf32, #tpu.memory_space<hbm>> -> memref<10240xf32, #tpu.memory_space<hbm>>
      tpu.enqueue_dma source(%arg15 : memref<10240xf32, #tpu.memory_space<vmem>>) target(%dma_start3A_65 : memref<10240xf32, #tpu.memory_space<hbm>>) target_semaphore(%run_scoped3A : memref<!tpu.dma_semaphore, #tpu.memory_space<semaphore_mem>>)
      %dma_wait3A_66 = tpu.memref_slice %arg6[%mul3A_58] : memref<327680xf32, #tpu.memory_space<hbm>> -> memref<10240xf32, #tpu.memory_space<hbm>>
      %dma_wait3A_67 = tpu.memref_slice %arg6[%mul3A_58] : memref<327680xf32, #tpu.memory_space<hbm>> -> memref<10240xf32, #tpu.memory_space<hbm>>
      tpu.wait_dma2 semaphore(%run_scoped3A : memref<!tpu.dma_semaphore, #tpu.memory_space<semaphore_mem>>) src(%arg15 : memref<10240xf32, #tpu.memory_space<vmem>>) dst(%dma_wait3A_67 : memref<10240xf32, #tpu.memory_space<hbm>>)
      tpu.yield
    }) : () -> ()
    %barrier3A_59 = arith.constant 0 : index
    tpu.barrier barrier_id(%barrier3A_59)
    %mul3A_60 = arith.constant 640 : i32
    %mul3A_61 = arith.muli %arg1, %mul3A_60 : i32
    %mul3A_62 = arith.constant 640 : i32
    %mul3A_63 = arith.muli %arg1, %mul3A_62 : i32
    "tpu.region"() ({
      %run_scoped3A = tpu.sem_alloc : memref<!tpu.dma_semaphore, #tpu.memory_space<semaphore_mem>>
      %dma_start3A_64 = arith.constant 0 : i32
      %dma_start3A_65 = tpu.memref_slice %arg5[%arg0, %mul3A_63, %dma_start3A_64] : memref<2x10240x128xf32, #tpu.memory_space<hbm>> -> memref<1x640x128xf32, #tpu.memory_space<hbm>>
      %dma_start3A_66 = tpu.memref_squeeze %dma_start3A_65 : memref<1x640x128xf32, #tpu.memory_space<hbm>> -> memref<640x128xf32, #tpu.memory_space<hbm>>
      %dma_start3A_67 = arith.constant 0 : i32
      %dma_start3A_68 = tpu.memref_slice %arg12[%mul3A_61, %dma_start3A_67] : memref<10240x128xf32, #tpu.memory_space<vmem_shared>> -> memref<640x128xf32, #tpu.memory_space<vmem_shared>>
      tpu.enqueue_dma source(%dma_start3A_68 : memref<640x128xf32, #tpu.memory_space<vmem_shared>>) target(%dma_start3A_66 : memref<640x128xf32, #tpu.memory_space<hbm>>) target_semaphore(%run_scoped3A : memref<!tpu.dma_semaphore, #tpu.memory_space<semaphore_mem>>)
      %dma_wait3A_69 = arith.constant 0 : i32
      %dma_wait3A_70 = tpu.memref_slice %arg5[%arg0, %mul3A_63, %dma_wait3A_69] : memref<2x10240x128xf32, #tpu.memory_space<hbm>> -> memref<1x640x128xf32, #tpu.memory_space<hbm>>
      %dma_wait3A_71 = tpu.memref_squeeze %dma_wait3A_70 : memref<1x640x128xf32, #tpu.memory_space<hbm>> -> memref<640x128xf32, #tpu.memory_space<hbm>>
      %dma_wait3A_72 = arith.constant 0 : i32
      %dma_wait3A_73 = tpu.memref_slice %arg12[%mul3A_61, %dma_wait3A_72] : memref<10240x128xf32, #tpu.memory_space<vmem_shared>> -> memref<640x128xf32, #tpu.memory_space<vmem_shared>>
      tpu.wait_dma2 semaphore(%run_scoped3A : memref<!tpu.dma_semaphore, #tpu.memory_space<semaphore_mem>>) src(%dma_wait3A_73 : memref<640x128xf32, #tpu.memory_space<vmem_shared>>) dst(%dma_wait3A_71 : memref<640x128xf32, #tpu.memory_space<hbm>>)
      tpu.yield
    }) : () -> ()
    return
  }
}

module attributes {stable_mosaic.version = 14 : i64} {
  func.func @body(%arg0: i32, %arg1: memref<2048x128xf32, #tpu.memory_space<vmem>>, %arg2: memref<2x2048x128xf32, #tpu.memory_space<vmem>>, %arg3: memref<32x2048xf32, #tpu.memory_space<vmem>>, %arg4: memref<128x128xf32, #tpu.memory_space<vmem>>, %arg5: memref<128x128xf32, #tpu.memory_space<vmem>>, %arg6: memref<1x128xf32, #tpu.memory_space<vmem>>, %arg7: memref<2048x128xf32, #tpu.memory_space<vmem>>) attributes {dimension_semantics = [#tpu.dimension_semantics<arbitrary>], iteration_bounds = array<i64: 5>, scalar_prefetch = 0 : i64, scratch_operands = 0 : i64, tpu.core_type = #tpu.core_type<tc>, window_params = [{transform_indices = @transform_0, window_bounds = array<i64: 2048, 128>}, {transform_indices = @transform_1, window_bounds = array<i64: 2, 2048, 128>}, {transform_indices = @transform_2, window_bounds = array<i64: 32, 2048>}, {pipeline_mode = #tpu.pipeline_mode<synchronous>, transform_indices = @transform_3, window_bounds = array<i64: 128, 128>}, {pipeline_mode = #tpu.pipeline_mode<synchronous>, transform_indices = @transform_4, window_bounds = array<i64: 128, 128>}, {pipeline_mode = #tpu.pipeline_mode<synchronous>, transform_indices = @transform_5, window_bounds = array<i64: 1, 128>}, {transform_indices = @transform_6, window_bounds = array<i64: 2048, 128>}]} {
    %get3A = arith.constant 0 : index
    %get3A_0 = arith.constant 0 : index
    %get3A_1 = arith.constant 0 : index
    %get3A_2 = vector.load %arg2[%get3A, %get3A_0, %get3A_1] : memref<2x2048x128xf32, #tpu.memory_space<vmem>>, vector<1x2048x128xf32>
    %get3A_3 = vector.shape_cast %get3A_2 : vector<1x2048x128xf32> to vector<2048x128xf32>
    %get3A_4 = arith.constant 1 : index
    %get3A_5 = arith.constant 0 : index
    %get3A_6 = arith.constant 0 : index
    %get3A_7 = vector.load %arg2[%get3A_4, %get3A_5, %get3A_6] : memref<2x2048x128xf32, #tpu.memory_space<vmem>>, vector<1x2048x128xf32>
    %get3A_8 = vector.shape_cast %get3A_7 : vector<1x2048x128xf32> to vector<2048x128xf32>
    %add3A = arith.addf %get3A_3, %get3A_8 : vector<2048x128xf32>
    %get3A_9 = arith.constant 0 : index
    %get3A_10 = arith.constant 0 : index
    %get3A_11 = vector.load %arg3[%get3A_9, %get3A_10] : memref<32x2048xf32, #tpu.memory_space<vmem>>, vector<32x2048xf32>
    %transpose3A = tpu.transpose %get3A_11, [1, 0] : vector<32x2048xf32> -> vector<2048x32xf32>
    %reduce_sum3A = arith.constant dense<0.000000e+00> : vector<2048xf32>
    %reduce_sum3A_12 = vector.multi_reduction <add>, %transpose3A, %reduce_sum3A [1] : vector<2048x32xf32> to vector<2048xf32>
    %broadcast_in_dim3A = vector.shape_cast %reduce_sum3A_12 : vector<2048xf32> to vector<2048x1xf32>
    %max3A = arith.constant 1.000000e+00 : f32
    %max3A_13 = vector.broadcast %max3A : f32 to vector<2048x1xf32>
    %max3A_14 = arith.maximumf %broadcast_in_dim3A, %max3A_13 : vector<2048x1xf32>
    %div3A = vector.broadcast %max3A_14 : vector<2048x1xf32> to vector<2048x128xf32>
    %div3A_15 = arith.divf %add3A, %div3A : vector<2048x128xf32>
    %get3A_16 = arith.constant 0 : index
    %get3A_17 = arith.constant 0 : index
    %get3A_18 = vector.load %arg1[%get3A_16, %get3A_17] : memref<2048x128xf32, #tpu.memory_space<vmem>>, vector<2048x128xf32>
    %get3A_19 = arith.constant 0 : index
    %get3A_20 = arith.constant 0 : index
    %get3A_21 = vector.load %arg4[%get3A_19, %get3A_20] : memref<128x128xf32, #tpu.memory_space<vmem>>, vector<128x128xf32>
    %dot_general3A = arith.constant dense<0.000000e+00> : vector<2048x128xf32>
    %dot_general3A_22 = tpu.matmul %get3A_18, %get3A_21, %dot_general3A {dimension_numbers = #tpu.dot_dimension_numbers<[1], [0], [0], [1], [0, 0, 1, 1], [], []>, transpose_lhs_hint = false} : vector<2048x128xf32>, vector<128x128xf32>, vector<2048x128xf32> -> vector<2048x128xf32>
    %get3A_23 = arith.constant 0 : index
    %get3A_24 = arith.constant 0 : index
    %get3A_25 = vector.load %arg5[%get3A_23, %get3A_24] : memref<128x128xf32, #tpu.memory_space<vmem>>, vector<128x128xf32>
    %dot_general3A_26 = arith.constant dense<0.000000e+00> : vector<2048x128xf32>
    %dot_general3A_27 = tpu.matmul %div3A_15, %get3A_25, %dot_general3A_26 {dimension_numbers = #tpu.dot_dimension_numbers<[1], [0], [0], [1], [0, 0, 1, 1], [], []>, transpose_lhs_hint = false} : vector<2048x128xf32>, vector<128x128xf32>, vector<2048x128xf32> -> vector<2048x128xf32>
    %add3A_28 = arith.addf %dot_general3A_22, %dot_general3A_27 : vector<2048x128xf32>
    %get3A_29 = arith.constant 0 : index
    %get3A_30 = arith.constant 0 : index
    %get3A_31 = vector.load %arg6[%get3A_29, %get3A_30] : memref<1x128xf32, #tpu.memory_space<vmem>>, vector<1x128xf32>
    %add3A_32 = vector.broadcast %get3A_31 : vector<1x128xf32> to vector<2048x128xf32>
    %add3A_33 = arith.addf %add3A_28, %add3A_32 : vector<2048x128xf32>
    %swap3A = arith.constant 0 : index
    %swap3A_34 = arith.constant 0 : index
    %swap3A_35 = vector.load %arg7[%swap3A, %swap3A_34] : memref<2048x128xf32, #tpu.memory_space<vmem>>, vector<2048x128xf32>
    tpu.vector_store %arg7[%swap3A, %swap3A_34], %add3A_33 {strides = array<i32>} : memref<2048x128xf32, #tpu.memory_space<vmem>>, vector<2048x128xf32>,
    return
  }
  func.func @transform_0(%arg0: i32) -> (i32, i32) {
    %c0_i32 = arith.constant 0 : i32
    %c0_i32_0 = arith.constant 0 : i32
    return %arg0, %c0_i32 : i32, i32
  }
  func.func @transform_1(%arg0: i32) -> (i32, i32, i32) {
    %c0_i32 = arith.constant 0 : i32
    %c0_i32_0 = arith.constant 0 : i32
    %c0_i32_1 = arith.constant 0 : i32
    return %c0_i32, %arg0, %c0_i32_0 : i32, i32, i32
  }
  func.func @transform_2(%arg0: i32) -> (i32, i32) {
    %c0_i32 = arith.constant 0 : i32
    %c0_i32_0 = arith.constant 0 : i32
    return %c0_i32, %arg0 : i32, i32
  }
  func.func @transform_3(%arg0: i32) -> (i32, i32) {
    %c0_i32 = arith.constant 0 : i32
    %c0_i32_0 = arith.constant 0 : i32
    %c0_i32_1 = arith.constant 0 : i32
    return %c0_i32, %c0_i32_0 : i32, i32
  }
  func.func @transform_4(%arg0: i32) -> (i32, i32) {
    %c0_i32 = arith.constant 0 : i32
    %c0_i32_0 = arith.constant 0 : i32
    %c0_i32_1 = arith.constant 0 : i32
    return %c0_i32, %c0_i32_0 : i32, i32
  }
  func.func @transform_5(%arg0: i32) -> (i32, i32) {
    %c0_i32 = arith.constant 0 : i32
    %c0_i32_0 = arith.constant 0 : i32
    %c0_i32_1 = arith.constant 0 : i32
    return %c0_i32, %c0_i32_0 : i32, i32
  }
  func.func @transform_6(%arg0: i32) -> (i32, i32) {
    %c0_i32 = arith.constant 0 : i32
    %c0_i32_0 = arith.constant 0 : i32
    return %arg0, %c0_i32 : i32, i32
  }
}

module attributes {stable_mosaic.version = 14 : i64} {
  func.func @body(%arg0: i32, %arg1: memref<2048x128xf32, #tpu.memory_space<vmem>>, %arg2: memref<2x2048x128xf32, #tpu.memory_space<vmem>>, %arg3: memref<32x2048xf32, #tpu.memory_space<vmem>>, %arg4: memref<128x128xf32, #tpu.memory_space<vmem>>, %arg5: memref<128x128xf32, #tpu.memory_space<vmem>>, %arg6: memref<1x128xf32, #tpu.memory_space<vmem>>, %arg7: memref<2048x128xf32, #tpu.memory_space<vmem>>) attributes {dimension_semantics = [#tpu.dimension_semantics<arbitrary>], iteration_bounds = array<i64: 5>, scalar_prefetch = 0 : i64, scratch_operands = 0 : i64, tpu.core_type = #tpu.core_type<tc>, window_params = [{transform_indices = @transform_0, window_bounds = array<i64: 2048, 128>}, {transform_indices = @transform_1, window_bounds = array<i64: 2, 2048, 128>}, {transform_indices = @transform_2, window_bounds = array<i64: 32, 2048>}, {pipeline_mode = #tpu.pipeline_mode<synchronous>, transform_indices = @transform_3, window_bounds = array<i64: 128, 128>}, {pipeline_mode = #tpu.pipeline_mode<synchronous>, transform_indices = @transform_4, window_bounds = array<i64: 128, 128>}, {pipeline_mode = #tpu.pipeline_mode<synchronous>, transform_indices = @transform_5, window_bounds = array<i64: 1, 128>}, {transform_indices = @transform_6, window_bounds = array<i64: 2048, 128>}]} {
    %get3A = arith.constant 0 : index
    %get3A_0 = arith.constant 0 : index
    %get3A_1 = arith.constant 0 : index
    %get3A_2 = vector.load %arg2[%get3A, %get3A_0, %get3A_1] : memref<2x2048x128xf32, #tpu.memory_space<vmem>>, vector<1x2048x128xf32>
    %get3A_3 = vector.shape_cast %get3A_2 : vector<1x2048x128xf32> to vector<2048x128xf32>
    %get3A_4 = arith.constant 1 : index
    %get3A_5 = arith.constant 0 : index
    %get3A_6 = arith.constant 0 : index
    %get3A_7 = vector.load %arg2[%get3A_4, %get3A_5, %get3A_6] : memref<2x2048x128xf32, #tpu.memory_space<vmem>>, vector<1x2048x128xf32>
    %get3A_8 = vector.shape_cast %get3A_7 : vector<1x2048x128xf32> to vector<2048x128xf32>
    %add3A = arith.addf %get3A_3, %get3A_8 : vector<2048x128xf32>
    %get3A_9 = arith.constant 0 : index
    %get3A_10 = arith.constant 0 : index
    %get3A_11 = vector.load %arg3[%get3A_9, %get3A_10] : memref<32x2048xf32, #tpu.memory_space<vmem>>, vector<32x2048xf32>
    %transpose3A = tpu.transpose %get3A_11, [1, 0] : vector<32x2048xf32> -> vector<2048x32xf32>
    %reduce_sum3A = arith.constant dense<0.000000e+00> : vector<2048xf32>
    %reduce_sum3A_12 = vector.multi_reduction <add>, %transpose3A, %reduce_sum3A [1] : vector<2048x32xf32> to vector<2048xf32>
    %broadcast_in_dim3A = vector.shape_cast %reduce_sum3A_12 : vector<2048xf32> to vector<2048x1xf32>
    %max3A = arith.constant 1.000000e+00 : f32
    %max3A_13 = vector.broadcast %max3A : f32 to vector<2048x1xf32>
    %max3A_14 = arith.maximumf %broadcast_in_dim3A, %max3A_13 : vector<2048x1xf32>
    %div3A = vector.broadcast %max3A_14 : vector<2048x1xf32> to vector<2048x128xf32>
    %div3A_15 = arith.divf %add3A, %div3A : vector<2048x128xf32>
    %get3A_16 = arith.constant 0 : index
    %get3A_17 = arith.constant 0 : index
    %get3A_18 = vector.load %arg1[%get3A_16, %get3A_17] : memref<2048x128xf32, #tpu.memory_space<vmem>>, vector<2048x128xf32>
    %get3A_19 = arith.constant 0 : index
    %get3A_20 = arith.constant 0 : index
    %get3A_21 = vector.load %arg4[%get3A_19, %get3A_20] : memref<128x128xf32, #tpu.memory_space<vmem>>, vector<128x128xf32>
    %dot_general3A = arith.constant dense<0.000000e+00> : vector<2048x128xf32>
    %dot_general3A_22 = tpu.matmul %get3A_18, %get3A_21, %dot_general3A {dimension_numbers = #tpu.dot_dimension_numbers<[1], [0], [0], [1], [0, 0, 1, 1], [], []>, transpose_lhs_hint = false} : vector<2048x128xf32>, vector<128x128xf32>, vector<2048x128xf32> -> vector<2048x128xf32>
    %get3A_23 = arith.constant 0 : index
    %get3A_24 = arith.constant 0 : index
    %get3A_25 = vector.load %arg5[%get3A_23, %get3A_24] : memref<128x128xf32, #tpu.memory_space<vmem>>, vector<128x128xf32>
    %dot_general3A_26 = arith.constant dense<0.000000e+00> : vector<2048x128xf32>
    %dot_general3A_27 = tpu.matmul %div3A_15, %get3A_25, %dot_general3A_26 {dimension_numbers = #tpu.dot_dimension_numbers<[1], [0], [0], [1], [0, 0, 1, 1], [], []>, transpose_lhs_hint = false} : vector<2048x128xf32>, vector<128x128xf32>, vector<2048x128xf32> -> vector<2048x128xf32>
    %add3A_28 = arith.addf %dot_general3A_22, %dot_general3A_27 : vector<2048x128xf32>
    %get3A_29 = arith.constant 0 : index
    %get3A_30 = arith.constant 0 : index
    %get3A_31 = vector.load %arg6[%get3A_29, %get3A_30] : memref<1x128xf32, #tpu.memory_space<vmem>>, vector<1x128xf32>
    %add3A_32 = vector.broadcast %get3A_31 : vector<1x128xf32> to vector<2048x128xf32>
    %add3A_33 = arith.addf %add3A_28, %add3A_32 : vector<2048x128xf32>
    %max3A_34 = arith.constant 0.000000e+00 : f32
    %max3A_35 = vector.broadcast %max3A_34 : f32 to vector<2048x128xf32>
    %max3A_36 = arith.maximumf %add3A_33, %max3A_35 : vector<2048x128xf32>
    %swap3A = arith.constant 0 : index
    %swap3A_37 = arith.constant 0 : index
    %swap3A_38 = vector.load %arg7[%swap3A, %swap3A_37] : memref<2048x128xf32, #tpu.memory_space<vmem>>, vector<2048x128xf32>
    tpu.vector_store %arg7[%swap3A, %swap3A_37], %max3A_36 {strides = array<i32>} : memref<2048x128xf32, #tpu.memory_space<vmem>>, vector<2048x128xf32>,
    return
  }
  func.func @transform_0(%arg0: i32) -> (i32, i32) {
    %c0_i32 = arith.constant 0 : i32
    %c0_i32_0 = arith.constant 0 : i32
    return %arg0, %c0_i32 : i32, i32
  }
  func.func @transform_1(%arg0: i32) -> (i32, i32, i32) {
    %c0_i32 = arith.constant 0 : i32
    %c0_i32_0 = arith.constant 0 : i32
    %c0_i32_1 = arith.constant 0 : i32
    return %c0_i32, %arg0, %c0_i32_0 : i32, i32, i32
  }
  func.func @transform_2(%arg0: i32) -> (i32, i32) {
    %c0_i32 = arith.constant 0 : i32
    %c0_i32_0 = arith.constant 0 : i32
    return %c0_i32, %arg0 : i32, i32
  }
  func.func @transform_3(%arg0: i32) -> (i32, i32) {
    %c0_i32 = arith.constant 0 : i32
    %c0_i32_0 = arith.constant 0 : i32
    %c0_i32_1 = arith.constant 0 : i32
    return %c0_i32, %c0_i32_0 : i32, i32
  }
  func.func @transform_4(%arg0: i32) -> (i32, i32) {
    %c0_i32 = arith.constant 0 : i32
    %c0_i32_0 = arith.constant 0 : i32
    %c0_i32_1 = arith.constant 0 : i32
    return %c0_i32, %c0_i32_0 : i32, i32
  }
  func.func @transform_5(%arg0: i32) -> (i32, i32) {
    %c0_i32 = arith.constant 0 : i32
    %c0_i32_0 = arith.constant 0 : i32
    %c0_i32_1 = arith.constant 0 : i32
    return %c0_i32, %c0_i32_0 : i32, i32
  }
  func.func @transform_6(%arg0: i32) -> (i32, i32) {
    %c0_i32 = arith.constant 0 : i32
    %c0_i32_0 = arith.constant 0 : i32
    return %arg0, %c0_i32 : i32, i32
  }
}

</mosaic_0001>

<sc_bundles>
// kernel: kernel.6.cloned.1.call-start
scs
__scs_entry_jumppad:
0x0: {  	(pc) =	sbr.rel $0x88, $3  }
0x1: {  	(tag) =	ssettag $0x0;
	lr =	simm.s32 $0x1  }
0x2: {  	[smem:$0x3F99] =	sst lr;
	_ =	strace $0xD0000000  }
0x3: {  	_ = 	snop  }
0x4: {  	_ = 	snop  }
0x5: {  	_ = 	snop  }
0x6: {  	_ = 	snop  }
0x7: {  	_ = 	snop  }
__scs_overlays_trampoline_lowered:
0x8: {  	[smem:$0x3FA8] =	sst s0  }
0x9: {  	[smem:$0x3FA9] =	sst s1  }
0xa: {  	[smem:$0x3FAA] =	sst s2  }
0xb: {  	[smem:$0x3FAB] =	sst s3  }
0xc: {  	[smem:$0x3FAC] =	sst s4  }
0xd: {  	[smem:$0x3FAD] =	sst s5  }
0xe: {  	[smem:$0x3FAE] =	sst s6  }
0xf: {  	[smem:$0x3FAF] =	sst s7  }
0x10: {  	[smem:$0x3FB0] =	sst s8  }
0x11: {  	[smem:$0x3FB1] =	sst s9;
	s0 =	simm.s32 @!p0 $0x0  }
0x12: {  	s1 =	sld [smem:$0x3F97];
	s0 =	simm.s32 @p0 $0x1  }
0x13: {  	[smem:$0x3FB2] =	sst s0;
	s0 =	simm.s32 @!p1 $0x0  }
0x14: {  	s2 =	sld [smem:$0x3F96];
	s0 =	simm.s32 @p1 $0x1  }
0x15: {  	[smem:$0x3FB3] =	sst s0;
	s0 =	simm.s32 @!p2 $0x0  }
0x16: {  	s3 =	sld [smem:$0x3FDB];
	s0 =	simm.s32 @p2 $0x1  }
0x17: {  	s4 =	simm.s32 $0x1BF5;
	[smem:$0x3FB5] =	sst s0  }
0x18: {  	s0 =	sld [smem:$0x3F98];
	_ =	swait.ge [sflag:s4], $0x0  }
0x19: {  	s7 =	sld [smem:$0x3F99]  }
0x1a: {  	s8 =	sadd.s32 $0xFFFFE003, lr  }
0x1b: {  	s9 =	sadd.s32 $0xFFFFFEF7, lr;
	s5 =	simm.s32 $0xFFFFFFFF;
	p2 =	slt.u32 s8, $0xFFFFF086  }
0x1c: {  	p1 =	slt.u32 s9, $0xF7A;
	s5 =	simm.s32 @!p2 $0x0  }
0x1d: {  	s5 =	simm.s32 @p1 $0x1;
	p0 =	seq.s32 s7, s2  }
0x1e: {  	s7 =	smul.u32 @!p0 $0xF7A, s2;
	p2 =	seq.s32 @!p0 s5, $0x0  }
0x1f: {  	s9 =	smul.u32 $0xF7A, s1;
	s8 =	simm.s32 @!p0 $0x1BF5;
	p2 =	por !p2, p0  }
0x20: {  	[sflag:s8] =	ssyncset.s32 @!p0 $0xFFFFF086;
	s6 =	sadd.s32 @!p0 s3, s7;
	s7 =	simm.s32 @!p0 $0x108  }
0x21: {  	s3 =	sadd.s32 s3, s9;
	s6 =	sadd.s32 @!p0 $0x88, s6;
	s7 =	simm.s32 @p2 $0x1082  }
0x22: {  	[simem:s7], [sflag:s8] =	dma.local @!p0 [hbm:s6], $0xF7A  }
0x23: {  	s9 =	sor.u32 $0xD0000000, s2;
	s6 =	simm.s32 $0x108;
	_ =	swait.ge @!p0 [sflag:s8], $0x0  }
0x24: {  	s3 =	sadd.s32 $0x88, s3;
	s6 =	simm.s32 @!p1 $0x1082;
	[sflag:s4] =	ssyncset.s32 $0xFFFFF086  }
0x25: {  	[simem:s6], [sflag:s4] =	dma.local [hbm:s3], $0xF7A  }
0x26: {  	[smem:$0x3F99] =	sst s1;
	(tag) =	ssettag s2;
	_ =	strace s9  }
0x27: {  	s1 =	sld [smem:$0x3FA9]  }
0x28: {  	s2 =	sld [smem:$0x3FAA]  }
0x29: {  	s4 =	sld [smem:$0x3FAC]  }
0x2a: {  	p0 =	seq.s32 s5, $0x0;
	s5 =	sld [smem:$0x3FAD]  }
0x2b: {  	s6 =	sld [smem:$0x3FAE]  }
0x2c: {  	s7 =	sld [smem:$0x3FAF]  }
0x2d: {  	s3 =	simm.s32 $0x108;
	s8 =	sld [smem:$0x3FB0]  }
0x2e: {  	s3 =	simm.s32 @!p0 $0x1082;
	s9 =	sld [smem:$0x3FB1]  }
0x2f: {  	lr =	sadd.s32 s0, s3;
	s0 =	sld [smem:$0x3FA8]  }
0x30: {  	s3 =	sld [smem:$0x3FAB]  }
0x31: {  	[smem:$0x3FB4] =	sst s10  }
0x32: {  	s10 =	sld [smem:$0x3FB2];
	_ =	sdelay $0x3  }
0x33: {  	p0 =	seq.s32 s10, $0x1;
	s10 =	sld [smem:$0x3FB4];
	_ =	sdelay $0x3  }
0x34: {  	[smem:$0x3FB4] =	sst s10  }
0x35: {  	s10 =	sld [smem:$0x3FB3];
	_ =	sdelay $0x3  }
0x36: {  	p1 =	seq.s32 s10, $0x1;
	s10 =	sld [smem:$0x3FB4];
	_ =	sdelay $0x3  }
0x37: {  	[smem:$0x3FB4] =	sst s10  }
0x38: {  	s10 =	sld [smem:$0x3FB5]  }
0x39: {  	_ = 	snop;
	(pc) =	sbr.ind lr, $3  }
0x3a: {  	_ = 	snop  }
0x3b: {  	_ = 	snop  }
0x3c: {  	p2 =	seq.s32 s10, $0x1;
	s10 =	sld [smem:$0x3FB4]  }
0x3d: {  	_ =	shalt  }
0x3e: {  	_ =	shalt  }
0x3f: {  	_ =	shalt  }
0x40: {  	_ =	shalt  }
0x41: {  	_ =	shalt  }
0x42: {  	_ =	shalt  }
0x43: {  	_ =	shalt  }
0x44: {  	_ =	shalt  }
0x45: {  	_ =	shalt  }
0x46: {  	_ =	shalt  }
0x47: {  	_ =	shalt  }
0x48: {  	_ =	shalt  }
0x49: {  	_ =	shalt  }
0x4a: {  	_ =	shalt  }
0x4b: {  	_ =	shalt  }
0x4c: {  	_ =	shalt  }
0x4d: {  	_ =	shalt  }
0x4e: {  	_ =	shalt  }
0x4f: {  	_ =	shalt  }
0x50: {  	_ =	shalt  }
0x51: {  	_ =	shalt  }
0x52: {  	_ =	shalt  }
0x53: {  	_ =	shalt  }
0x54: {  	_ =	shalt  }
0x55: {  	_ =	shalt  }
0x56: {  	_ =	shalt  }
0x57: {  	_ =	shalt  }
0x58: {  	_ =	shalt  }
0x59: {  	_ =	shalt  }
0x5a: {  	_ =	shalt  }
0x5b: {  	_ =	shalt  }
0x5c: {  	_ =	shalt  }
0x5d: {  	_ =	shalt  }
0x5e: {  	_ =	shalt  }
0x5f: {  	_ =	shalt  }
0x60: {  	_ =	shalt  }
0x61: {  	_ =	shalt  }
0x62: {  	_ =	shalt  }
0x63: {  	_ =	shalt  }
0x64: {  	_ =	shalt  }
0x65: {  	_ =	shalt  }
0x66: {  	_ =	shalt  }
0x67: {  	_ =	shalt  }
0x68: {  	_ =	shalt  }
0x69: {  	_ =	shalt  }
0x6a: {  	_ =	shalt  }
0x6b: {  	_ =	shalt  }
0x6c: {  	_ =	shalt  }
0x6d: {  	_ =	shalt  }
0x6e: {  	_ =	shalt  }
0x6f: {  	_ =	shalt  }
0x70: {  	_ =	shalt  }
0x71: {  	_ =	shalt  }
0x72: {  	_ =	shalt  }
0x73: {  	_ =	shalt  }
0x74: {  	_ =	shalt  }
0x75: {  	_ =	shalt  }
0x76: {  	_ =	shalt  }
0x77: {  	_ =	shalt  }
0x78: {  	_ =	shalt  }
0x79: {  	_ =	shalt  }
0x7a: {  	_ =	shalt  }
0x7b: {  	_ =	shalt  }
0x7c: {  	_ =	shalt  }
0x7d: {  	_ =	shalt  }
0x7e: {  	_ =	shalt  }
0x7f: {  	_ =	shalt  }
0x80: {  	_ =	shalt  }
0x81: {  	_ =	shalt  }
0x82: {  	_ =	shalt  }
0x83: {  	_ =	shalt  }
0x84: {  	_ =	shalt  }
0x85: {  	_ =	shalt  }
0x86: {  	_ =	shalt  }
0x87: {  	_ =	shalt  }
.Lfunc_end0:
.L_simem_size_0:
called_computation_lowered:
.L_overlay_start_0:
0x88: {  	s2 =	sld [smem:$0x3FD9]  }
0x89: {  	s3 =	sld [smem:$0x3FFE];
	_ =	sdelay $0x1  }
0x8a: {  	s1 =	srdreg.scid  }
0x8b: {  	s0 =	sand.u32 $0x1, s1  }
0x8c: {  	s17 =	sshll.u32 s0, $0xA;
	s2 =	sadd.s32 s3, s2  }
0x8d: {  	s2 =	sadd.s32 s2, s17  }
0x8e: {  	[smem:$0x3FC0] =	sst s2  }
0x8f: {  	_ = 	snop  }
0x90: {  	s2 =	sld [smem:$0x3FC9]  }
0x91: {  	s18 =	sld [smem:$0x3FD0];
	(tm) =	ssettm $0x1  }
0x92: {  	s4 =	sld [smem:$0x3FFB];
	_ =	sdelay $0x3  }
0x93: {  	_ =	strace s4  }
0x94: {  	s4 =	sld [smem:$0x3FFC];
	_ =	sdelay $0x3  }
0x95: {  	_ =	strace s4  }
0x96: {  	s4 =	sld [smem:$0x3FFD];
	_ =	sdelay $0x3  }
0x97: {  	_ =	strace s4  }
0x98: {  	_ =	strace $0x8FFFFFFF  }
0x99: {  	s19 =	sld [smem:$0x3FDB];
	_ =	sdelay $0x1  }
0x9a: {  	s5 =	simm.s32 $_scs_section_size  }
0x9b: {  	s6 =	simm.s32 $_size__tile_overlayer_lowered;
	s7 =	simm.s32 $_tile_overlayer_lowered  }
0x9c: {  	s22 =	simm.s32 $0x1BFF;
	s21 =	sshll.u32 s7, $0x1;
	s4 =	sadd.s32 s5, s19  }
0x9d: {  	s8 =	simm.s32 $0x0;
	s20 =	sshll.u32 s6, $0x1;
	s6 =	sadd.s32 s21, s4  }
0x9e: {  	[timem:s8], [sflag:s22] =	dma.local [hbm:s6], s20  }
0x9f: {  	_ =	swait.ge [sflag:s22], s20  }
0xa0: {  	s5 =	ssub.s32 $0x0, s20;
	[sflag:s22] =	ssyncset.done $0x0  }
0xa1: {  	[sflag:s22] =	ssyncadd.s32 s5;
	_ =	sdelay $0x1  }
0xa2: {  	s23 =	simm.s32 $0x1B8B  }
0xa3: {  	_ =	swait.ge [sflag:s23], $0x1  }
0xa4: {  	[sflag:s23] =	ssyncset.done $0x0  }
0xa5: {  	s25 =	simm.s32 $0x1B8E;
	s24 =	sld [smem:$0x3FFE];
	[sflag:s23] =	ssyncadd.s32 $0xFFFFFFFF  }
0xa6: {  	s26 =	simm.s32 $execute0_lowered;
	[smem:$0x3FD2] =	sst s25  }
0xa7: {  	s6 =	sshll.u32 s26, $0x1;
	_ =	strace $0x80000046;
	[dreg:$0x1] =	wrdreg $0xFFFFFFFF  }
0xa8: {  	s28 =	simm.s32 $_size_execute0_lowered;
	s4 =	sadd.s32 s4, s6;
	[dreg:$0x0] =	wrdreg $0x0  }
0xa9: {  	s6 =	sshll.u32 s28, $0x1;
	[dreg:$0x2] =	wrdreg s4  }
0xaa: {  	[dreg:$0x3] =	wrdreg s6  }
0xab: {  	[dreg:$0x4] =	wrdreg $0xC0  }
0xac: {  	_ =	task [dreg:s8], $0x5FFFF  }
0xad: {  	[dreg:$0x1] =	wrdreg $0xFFFFFFFF  }
0xae: {  	[dreg:$0x0] =	wrdreg $0x60  }
0xaf: {  	[dreg:$0x2] =	wrdreg s2  }
0xb0: {  	[dreg:$0x3] =	wrdreg s24  }
0xb1: {  	[dreg:$0x4] =	wrdreg s18  }
0xb2: {  	[dreg:$0x5] =	wrdreg $0x78800  }
0xb3: {  	[dreg:$0x6] =	wrdreg $0x9  }
0xb4: {  	_ =	task.clear_ibuf [dreg:s8], $0x7FFFF;
	_ =	strace $0x90000046  }
0xb5: {  	s29 =	simm.s32 $0x9;
	_ =	strace $0x80000048  }
0xb6: {  	_ =	swait.ge [sflag:s29], $0x1  }
0xb7: {  	[sflag:s29] =	ssyncadd.s32 $0xFFFFFFFF  }
0xb8: {  	_ =	strace $0x90000048  }
0xb9: {  	_ =	sfence  }
0xba: {  	s30 =	sld [smem:$0x0];
	_ =	sdelay $0x2  }
0xbb: {  	s31 =	sshll.u32 s1, $0xD;
	s1 =	sshrl.u32 s1, $0x2  }
0xbc: {  	s3 =	sand.u32 $0x4000, s31;
	s1 =	sadd.s32 s1, s30  }
0xbd: {  	s0 =	sor.u32 s3, s0;
	s1 =	sshll.u32 s1, $0x11  }
0xbe: {  	s0 =	sor.u32 s1, s0  }
0xbf: {  	s0 =	sadd.s32 $0x8F2B, s0  }
0xc0: {  	[sflag:s0] =	ssyncadd.remote.s32 $0x1  }
0xc1: {  	_ =	sfence.sel $0xFFFF  }
0xc2: {  	[dreg:$0x0] =	wrdreg $0xFFFFFFFF;
	(pc) =	sbr.abs _section_cstart, $3  }
0xc3: {  	[dreg:$0x1] =	wrdreg $0xFFFFFFFF  }
0xc4: {  	_ =	task.clear_ibuf [dreg:s8], $0x2FFFF;
	_ =	strace $0x9FFFFFFF  }
0xc5: {  	(tm) =	ssettm $0x7FFFFFFF  }
tec
execute0_lowered:
.L_overlay_start_1:
0x0: {  	(tag) =	ssettag $0x1  }
0x1: {  	s1 =	rddreg [dreg:$0x0]  }
0x2: {  	s0 =	srdreg.scid;
	s2 =	rddreg [dreg:$0x1]  }
0x3: {  	s13 =	stileid.u32;
	s6 =	rddreg [dreg:$0x2];
	s4 =	simm.s32 $0x0  }
0x4: {  	s28 =	simm.s32 $0x1;
	s29 =	simm.s32 $0x3;
	s10 =	smul.u32 $0x14000, s13  }
0x5: {  	s30 =	simm.s32 $0x1B880;
	s31 =	simm.s32 $0x2;
	s23 =	smul.u32 $0x50000, s13  }
0x6: {  	s0 =	sand.u32 $0x1, s0;
	[smem:$0x7FF] =	sst s4;
	s25 =	smul.u32 $0x2710, s13  }
0x7: {  	s3 =	sshll.u32 s0, $0x4;
	s8 =	smul.u32 $0x140000, s0;
	s21 =	ssub.s32 $0x2, s0  }
0x8: {  	s0 =	smul.u32 $0x27100, s0;
	s7 =	sor.u32 s13, s3;
	s3 =	rddreg [dreg:$0x3]  }
0x9: {  	_ =	strace $0x80000047;
	s12 =	sshrl.u32 s21, $0x1;
	s24 =	sshrl.u32 s23, $0x2  }
0xa: {  	s23 =	simm.s32 $0x50;
	s5 =	smul.u32 $0x2710, s7;
	s8 =	sadd.s32 s10, s8  }
0xb: {  	s7 =	smul.u32 $0x500, s7;
	s22 =	ssub.s32 s21, s12;
	s10 =	sadd.s32 s24, s3  }
0xc: {  	s0 =	sadd.s32 s25, s0;
	s21 =	simm.s32 $0x5;
	s24 =	simm.s32 $0x2780  }
0xd: {  	s25 =	simm.s32 $0x5080;
	s8 =	sshrl.u32 s8, $0x3;
	s12 =	sadd.s32 $0x2800, s10  }
0xe: {  	s13 =	sadd.s32 $0x5000, s10;
	s14 =	sadd.s32 $0x7800, s10;
	s15 =	sadd.s32 $0xA000, s10  }
0xf: {  	s26 =	sadd.s32 $0x50, s0;
	s16 =	sadd.s32 $0xC800, s10;
	s17 =	sadd.s32 $0xF000, s10  }
0x10: {  	s9 =	sshrl.u32 s5, $0x3;
	s5 =	sadd.s32 $0x2000, s2;
	s6 =	sadd.s32 s6, s7  }
0x11: {  	s11 =	sadd.s32 s9, s2;
	s9 =	sadd.s32 s5, s9;
	[dreg:$0x7] =	wrdreg s6  }
0x12: {  	s2 =	sadd.s32 s8, s2;
	s11 =	sadd.s32 $0xBE00, s11;
	[dreg:$0x6] =	wrdreg s9  }
0x13: {  	s18 =	sadd.s32 $0x11800, s10;
	s2 =	sadd.s32 $0x15C00, s2;
	[dreg:$0x5] =	wrdreg s11  }
0x14: {  	s8 =	sadd.s32 $0xA0, s0;
	s0 =	simm.s32 $0x0;
	[dreg:$0x8] =	wrdreg s2  }
0x15: {  	s11 =	smax.u32 s22, $0x1;
	s2 =	sshrl.u32 s26, $0x3;
	s22 =	simm.s32 $0x2880  }
0x16: {  	v0 =	vimm.f32 $0.0e+00;
	v1 =	vimm.f32 $1.000000000e+00;
	s26 =	simm.s32 $0x2800;
	s20 =	sadd.s32 s2, s5;
	s2 =	simm.s32 $0x4  }
.LBB2_1:
0x17: {  	s6 =	rddreg [dreg:$0x5]  }
0x18: {  	[tilespmem:s4], [sflag:$0x5] =	stream.linear.gather [hbm4b:s6+s4], $0x2710, $0x38;
	[tilespmem:$0x1E080] =	vst v63  }
0x19: {  	_ =	swait.ge [sflag:s21], $0x2710  }
0x1a: {  	[sflag:s21] =	ssyncset.done $0x0  }
0x1b: {  	s7 =	simm.s32 $0x3C0;
	s6 =	simm.s32 $0x70;
	[sflag:s21] =	ssyncadd.s32 $0xFFFFD8F0  }
.LBB2_2:
0x1c: {  	p0 =	sne.s32 s7, $0x9FC0;
	[tilespmem:s6+$0x2880] =	vst v0  }
0x1d: {  	[tilespmem:s6+$0x2810] =	vst v0  }
0x1e: {  	[tilespmem:s6+$0x2820] =	vst v0  }
.Ltmp0:
0x1f: {  	[tilespmem:s6+$0x2830] =	vst v0;
	(pc) =	sbr.rel @p0 .LBB2_2-.Ltmp0, $4  }
0x20: {  	[tilespmem:s6+$0x2840] =	vst v0  }
0x21: {  	[tilespmem:s6+$0x2850] =	vst v0  }
0x22: {  	[tilespmem:s6+$0x2860] =	vst v0  }
0x23: {  	[tilespmem:s6+$0x2870] =	vst v0;
	s6 =	sshra.s32 s7, $0x2;
	s7 =	sadd.s32 $0x200, s7  }
0x24: {  	[tilespmem:s6+$0x2880] =	vst v0  }
0x25: {  	[tilespmem:s6+$0x2810] =	vst v0  }
0x26: {  	[tilespmem:s6+$0x2820] =	vst v0  }
0x27: {  	[tilespmem:s6+$0x2830] =	vst v0  }
0x28: {  	[tilespmem:s6+$0x2840] =	vst v0  }
0x29: {  	[tilespmem:s6+$0x2850] =	vst v0  }
0x2a: {  	[tilespmem:s6+$0x2860] =	vst v0  }
0x2b: {  	[tilespmem:s6+$0x2870] =	vst v0  }
0x2c: {  	[spmem:s10] =	stream.linear.scatter [tilespmem:s22], [sflag:$0x5], $0x2800, $0x38;
	[tilespmem:$0x1E080] =	vst v63  }
0x2d: {  	_ =	swait.ge [sflag:s21], $0x2800  }
0x2e: {  	[sflag:s21] =	ssyncset.done $0x0  }
0x2f: {  	[sflag:s21] =	ssyncadd.s32 $0xFFFFD800  }
0x30: {  	[spmem:s12] =	stream.linear.scatter [tilespmem:s22], [sflag:$0x5], $0x2800, $0x38;
	[tilespmem:$0x1E080] =	vst v63  }
0x31: {  	_ =	swait.ge [sflag:s21], $0x2800  }
0x32: {  	[sflag:s21] =	ssyncset.done $0x0  }
0x33: {  	[sflag:s21] =	ssyncadd.s32 $0xFFFFD800  }
0x34: {  	[spmem:s13] =	stream.linear.scatter [tilespmem:s22], [sflag:$0x5], $0x2800, $0x38;
	[tilespmem:$0x1E080] =	vst v63  }
0x35: {  	_ =	swait.ge [sflag:s21], $0x2800  }
0x36: {  	[sflag:s21] =	ssyncset.done $0x0  }
0x37: {  	[sflag:s21] =	ssyncadd.s32 $0xFFFFD800  }
0x38: {  	[spmem:s14] =	stream.linear.scatter [tilespmem:s22], [sflag:$0x5], $0x2800, $0x38;
	[tilespmem:$0x1E080] =	vst v63  }
0x39: {  	_ =	swait.ge [sflag:s21], $0x2800  }
0x3a: {  	[sflag:s21] =	ssyncset.done $0x0  }
0x3b: {  	[sflag:s21] =	ssyncadd.s32 $0xFFFFD800  }
0x3c: {  	[spmem:s15] =	stream.linear.scatter [tilespmem:s22], [sflag:$0x5], $0x2800, $0x38;
	[tilespmem:$0x1E080] =	vst v63  }
0x3d: {  	_ =	swait.ge [sflag:s21], $0x2800  }
0x3e: {  	[sflag:s21] =	ssyncset.done $0x0  }
0x3f: {  	[sflag:s21] =	ssyncadd.s32 $0xFFFFD800  }
0x40: {  	[spmem:s16] =	stream.linear.scatter [tilespmem:s22], [sflag:$0x5], $0x2800, $0x38;
	[tilespmem:$0x1E080] =	vst v63  }
0x41: {  	_ =	swait.ge [sflag:s21], $0x2800  }
0x42: {  	[sflag:s21] =	ssyncset.done $0x0  }
0x43: {  	[sflag:s21] =	ssyncadd.s32 $0xFFFFD800  }
0x44: {  	[spmem:s17] =	stream.linear.scatter [tilespmem:s22], [sflag:$0x5], $0x2800, $0x38;
	[tilespmem:$0x1E080] =	vst v63  }
0x45: {  	_ =	swait.ge [sflag:s21], $0x2800  }
0x46: {  	[sflag:s21] =	ssyncset.done $0x0  }
0x47: {  	[sflag:s21] =	ssyncadd.s32 $0xFFFFD800  }
0x48: {  	[spmem:s18] =	stream.linear.scatter [tilespmem:s22], [sflag:$0x5], $0x2800, $0x38;
	[tilespmem:$0x1E080] =	vst v63  }
0x49: {  	_ =	swait.ge [sflag:s21], $0x2800  }
0x4a: {  	[sflag:s21] =	ssyncset.done $0x0  }
0x4b: {  	s6 =	simm.s32 $0x40;
	s7 =	simm.s32 $0x0;
	[sflag:s21] =	ssyncadd.s32 $0xFFFFD800  }
.LBB2_4:
0x4c: {  	p0 =	sne.s32 s6, $0x9FC0;
	[tilespmem:s7+$0x1B880] =	vst v0;
	s7 =	smov.u32 s6;
	s6 =	sadd.s32 $0x40, s6  }
.Ltmp1:
0x4d: {  	(pc) =	sbr.rel @p0 .LBB2_4-.Ltmp1, $2  }
0x4e: {  	_ =	sdelay $0x2  }
0x4f: {  	s7 =	sshra.s32 s7, $0x2  }
0x50: {  	[tilespmem:s7+$0x1B880] =	vst v0  }
0x51: {  	s6 =	simm.s32 $0x0;
	[bflag:$0x0] =	sbarrier.arrive $0xFFFF  }
0x52: {  	[tilespmem:s22], [sflag:$0x1] =	stream.indirect.gather [hbm4b:s1+s23], $0x80, s6, s23, $0xb8;
	[tilespmem:$0x1E080] =	vst v63  }
0x53: {  	s19 =	rddreg [dreg:$0x6]  }
0x54: {  	[tilespmem:s24], [sflag:$0x3] =	stream.linear.gather [hbm4b:s19+s6], $0x50, $0x38;
	[tilespmem:$0x1E080] =	vst v63  }
0x55: {  	s7 =	simm.s32 $0xA0;
	s19 =	smov.u32 s8  }
.LBB2_6:
0x56: {  	s9 =	sadd.s32 $0xFFFFFFB0, s7  }
0x57: {  	[tilespmem:s25], [sflag:$0x2] =	stream.indirect.gather [hbm4b:s1+s23], $0x80, s9, s23, $0xb8;
	[tilespmem:$0x1E080] =	vst v63  }
0x58: {  	s9 =	sadd.s32 s6, s20  }
0x59: {  	[tilespmem:s26], [sflag:$0x4] =	stream.linear.gather [hbm4b:s9+s4], $0x50, $0x38;
	[tilespmem:$0x1E080] =	vst v63  }
0x5a: {  	_ =	swait.ge [sflag:s28], $0x2800  }
0x5b: {  	[sflag:s28] =	ssyncset.done $0x0  }
0x5c: {  	[sflag:s28] =	ssyncadd.s32 $0xFFFFD800  }
0x5d: {  	_ =	swait.ge [sflag:s29], $0x50  }
0x5e: {  	[sflag:s29] =	ssyncset.done $0x0  }
0x5f: {  	[sflag:s29] =	ssyncadd.s32 $0xFFFFFFB0  }
0x60: {  	v2 =	vld [tilespmem:$0x2780];
	_ =	sdelay $0x7  }
0x61: {  	[tilespmem:v2+s30+$0x0] =	vst.idx.add.f32.msk $0xffff, v1  }
0x62: {  	v2 =	vld [tilespmem:$0x2790];
	_ =	sdelay $0x7  }
0x63: {  	[tilespmem:v2+s30+$0x0] =	vst.idx.add.f32.msk $0xffff, v1  }
0x64: {  	v2 =	vld [tilespmem:$0x27A0];
	_ =	sdelay $0x7  }
0x65: {  	[tilespmem:v2+s30+$0x0] =	vst.idx.add.f32.msk $0xffff, v1  }
0x66: {  	v2 =	vld [tilespmem:$0x27B0];
	_ =	sdelay $0x7  }
0x67: {  	[tilespmem:v2+s30+$0x0] =	vst.idx.add.f32.msk $0xffff, v1  }
0x68: {  	v2 =	vld [tilespmem:$0x27C0];
	_ =	sdelay $0x7  }
0x69: {  	[tilespmem:v2+s30+$0x0] =	vst.idx.add.f32.msk $0xffff, v1  }
0x6a: {  	[spmem:s3] =	stream.indirect.scatter.add.f32 [tilespmem:s22], [sflag:$0x5], $0x80, s24, s23, $0xb8;
	[tilespmem:$0x1E080] =	vst v63  }
0x6b: {  	_ =	swait.ge [sflag:s21], $0x2800  }
0x6c: {  	[sflag:s21] =	ssyncset.done $0x0  }
0x6d: {  	s9 =	sshrl.u32 s19, $0x3;
	[sflag:s21] =	ssyncadd.s32 $0xFFFFD800  }
0x6e: {  	[tilespmem:s22], [sflag:$0x1] =	stream.indirect.gather [hbm4b:s1+s23], $0x80, s7, s23, $0xb8;
	[tilespmem:$0x1E080] =	vst v63  }
0x6f: {  	s9 =	sadd.s32 s5, s9  }
0x70: {  	[tilespmem:s24], [sflag:$0x3] =	stream.linear.gather [hbm4b:s9+s4], $0x50, $0x38;
	[tilespmem:$0x1E080] =	vst v63  }
0x71: {  	_ =	swait.ge [sflag:s31], $0x2800  }
0x72: {  	[sflag:s31] =	ssyncset.done $0x0  }
0x73: {  	[sflag:s31] =	ssyncadd.s32 $0xFFFFD800  }
0x74: {  	_ =	swait.ge [sflag:s2], $0x50  }
0x75: {  	[sflag:s2] =	ssyncset.done $0x0  }
0x76: {  	[sflag:s2] =	ssyncadd.s32 $0xFFFFFFB0  }
0x77: {  	v2 =	vld [tilespmem:$0x2800];
	_ =	sdelay $0x7  }
0x78: {  	[tilespmem:v2+s30+$0x0] =	vst.idx.add.f32.msk $0xffff, v1  }
0x79: {  	v2 =	vld [tilespmem:$0x2810];
	_ =	sdelay $0x7  }
0x7a: {  	[tilespmem:v2+s30+$0x0] =	vst.idx.add.f32.msk $0xffff, v1  }
0x7b: {  	v2 =	vld [tilespmem:$0x2820];
	_ =	sdelay $0x7  }
0x7c: {  	[tilespmem:v2+s30+$0x0] =	vst.idx.add.f32.msk $0xffff, v1  }
0x7d: {  	v2 =	vld [tilespmem:$0x2830];
	_ =	sdelay $0x7  }
0x7e: {  	[tilespmem:v2+s30+$0x0] =	vst.idx.add.f32.msk $0xffff, v1  }
0x7f: {  	v2 =	vld [tilespmem:$0x2840];
	_ =	sdelay $0x6  }
0x80: {  	p0 =	sne.s32 s6, $0x4C4  }
.Ltmp2:
0x81: {  	[tilespmem:v2+s30+$0x0] =	vst.idx.add.f32.msk $0xffff, v1;
	(pc) =	sbr.rel @p0 .LBB2_6-.Ltmp2, $4  }
0x82: {  	[spmem:s3] =	stream.indirect.scatter.add.f32 [tilespmem:s25], [sflag:$0x5], $0x80, s26, s23, $0xb8;
	[tilespmem:$0x1E080] =	vst v63  }
0x83: {  	_ =	swait.ge [sflag:s21], $0x2800  }
0x84: {  	s6 =	sadd.s32 $0x14, s6;
	[sflag:s21] =	ssyncset.done $0x0  }
0x85: {  	s19 =	sadd.s32 $0xA0, s19;
	s7 =	sadd.s32 $0xA0, s7;
	[sflag:s21] =	ssyncadd.s32 $0xFFFFD800  }
0x86: {  	_ =	swait.ge [sflag:s28], $0x2800  }
0x87: {  	[sflag:s28] =	ssyncset.done $0x0  }
0x88: {  	[sflag:s28] =	ssyncadd.s32 $0xFFFFD800  }
0x89: {  	_ =	swait.ge [sflag:s29], $0x50  }
0x8a: {  	[sflag:s29] =	ssyncset.done $0x0  }
0x8b: {  	[sflag:s29] =	ssyncadd.s32 $0xFFFFFFB0  }
0x8c: {  	v2 =	vld [tilespmem:$0x2780];
	_ =	sdelay $0x7  }
0x8d: {  	[tilespmem:v2+s30+$0x0] =	vst.idx.add.f32.msk $0xffff, v1  }
0x8e: {  	v2 =	vld [tilespmem:$0x2790];
	_ =	sdelay $0x7  }
0x8f: {  	[tilespmem:v2+s30+$0x0] =	vst.idx.add.f32.msk $0xffff, v1  }
0x90: {  	v2 =	vld [tilespmem:$0x27A0];
	_ =	sdelay $0x7  }
0x91: {  	[tilespmem:v2+s30+$0x0] =	vst.idx.add.f32.msk $0xffff, v1  }
0x92: {  	v2 =	vld [tilespmem:$0x27B0];
	_ =	sdelay $0x7  }
0x93: {  	[tilespmem:v2+s30+$0x0] =	vst.idx.add.f32.msk $0xffff, v1  }
0x94: {  	v2 =	vld [tilespmem:$0x27C0];
	_ =	sdelay $0x7  }
0x95: {  	[tilespmem:v2+s30+$0x0] =	vst.idx.add.f32.msk $0xffff, v1  }
0x96: {  	[spmem:s3] =	stream.indirect.scatter.add.f32 [tilespmem:s22], [sflag:$0x5], $0x80, s24, s23, $0xb8;
	[tilespmem:$0x1E080] =	vst v63  }
0x97: {  	_ =	swait.ge [sflag:s21], $0x2800  }
0x98: {  	[sflag:s21] =	ssyncset.done $0x0  }
0x99: {  	s6 =	rddreg [dreg:$0x7];
	[sflag:s21] =	ssyncadd.s32 $0xFFFFD800  }
0x9a: {  	[hbm4b:s6+s4] =	stream.linear.scatter [tilespmem:s30], [sflag:$0x5], $0x2800, $0x38;
	[tilespmem:$0x1E080] =	vst v63  }
0x9b: {  	_ =	swait.ge [sflag:s21], $0x2800  }
0x9c: {  	s19 =	stileid.u32;
	[sflag:s21] =	ssyncset.done $0x0  }
0x9d: {  	s7 =	sshrl.u32 s10, $0x3;
	s0 =	sadd.s32 $0x1, s0;
	[sflag:s21] =	ssyncadd.s32 $0xFFFFD800  }
0x9e: {  	p0 =	sne.s32 s0, s11;
	s6 =	sshll.u32 s19, $0x6;
	[bflag:$0x0] =	sbarrier.arrive $0xFFFF  }
.Ltmp3:
0x9f: {  	s6 =	sor.u32 $0x1C05, s6;
	s9 =	rddreg [dreg:$0x8];
	(pc) =	sbr.rel @p0 .LBB2_1-.Ltmp3, $4  }
0xa0: {  	[hbm:s9], [sflag:s6] =	dma.local [spmem:s7], $0x2800  }
0xa1: {  	_ =	swait.ge [sflag:s21], $0x2800  }
0xa2: {  	[sflag:s21] =	ssyncset.done $0x0  }
0xa3: {  	[sflag:s21] =	ssyncadd.s32 $0xFFFFD800  }
0xa4: {  	_ =	sfence.sel $0x180000  }
0xa5: {  	[bflag:$0x0] =	sbarrier.arrive $0xFFFF  }
0xa6: {  	_ =	strace $0x90000047  }
0xa7: {  	s0 =	stileid.u32;
	[bflag:$0x2] =	sbarrier.arrive $0xFFFF  }
0xa8: {  	p0 =	sne.s32 s0, $0x0;
	s0 =	rddreg [dreg:$0x4]  }
0xa9: {  	s0 =	sadd.s32 @!p0 $0x100000, s0  }
0xaa: {  	[sflag:s0] =	ssyncadd.tile.s32 @!p0 $0x1;
	_ =	shalt  }
.Lfunc_end2:
_tile_overlayer_lowered:
.L_overlay_start_2:
0xab: {  	(tag) =	ssettag $0x2  }
0xac: {  	s0 =	rddreg [dreg:$0x0];
	s2 =	stileid.u32  }
0xad: {  	s1 =	rddreg [dreg:$0x1];
	p0 =	sne.s32 s2, $0x0  }
0xae: {  	s3 =	rddreg [dreg:$0x2];
	[bflag:$0x3] =	sbarrier.arrive $0xFFFF;
	s2 =	simm.s32 @!p0 $0x1C05  }
0xaf: {  	[timem:s3], [sflag:s2] =	dma.local @!p0 [hbm:s0], s1  }
0xb0: {  	s0 =	simm.s32 @!p0 $0x5  }
0xb1: {  	_ =	swait.ge @!p0 [sflag:s0], s1  }
0xb2: {  	s1 =	ssub.s32 @!p0 $0x0, s1;
	[sflag:s0] =	ssyncset.done @!p0 $0x0  }
0xb3: {  	[sflag:s0] =	ssyncadd.s32 @!p0 s1  }
0xb4: {  	[bflag:$0x3] =	sbarrier.arrive $0xFFFF  }
0xb5: {  	_ =	shalt  }

// kernel: kernel.9.cloned.1.call-start
scs
__scs_entry_jumppad:
0x0: {  	(pc) =	sbr.rel $0x88, $3  }
0x1: {  	(tag) =	ssettag $0x0;
	lr =	simm.s32 $0x1  }
0x2: {  	[smem:$0x3F99] =	sst lr;
	_ =	strace $0xD0000000  }
0x3: {  	_ = 	snop  }
0x4: {  	_ = 	snop  }
0x5: {  	_ = 	snop  }
0x6: {  	_ = 	snop  }
0x7: {  	_ = 	snop  }
__scs_overlays_trampoline_lowered:
0x8: {  	[smem:$0x3FA8] =	sst s0  }
0x9: {  	[smem:$0x3FA9] =	sst s1  }
0xa: {  	[smem:$0x3FAA] =	sst s2  }
0xb: {  	[smem:$0x3FAB] =	sst s3  }
0xc: {  	[smem:$0x3FAC] =	sst s4  }
0xd: {  	[smem:$0x3FAD] =	sst s5  }
0xe: {  	[smem:$0x3FAE] =	sst s6  }
0xf: {  	[smem:$0x3FAF] =	sst s7  }
0x10: {  	[smem:$0x3FB0] =	sst s8  }
0x11: {  	[smem:$0x3FB1] =	sst s9;
	s0 =	simm.s32 @!p0 $0x0  }
0x12: {  	s1 =	sld [smem:$0x3F97];
	s0 =	simm.s32 @p0 $0x1  }
0x13: {  	[smem:$0x3FB2] =	sst s0;
	s0 =	simm.s32 @!p1 $0x0  }
0x14: {  	s2 =	sld [smem:$0x3F96];
	s0 =	simm.s32 @p1 $0x1  }
0x15: {  	[smem:$0x3FB3] =	sst s0;
	s0 =	simm.s32 @!p2 $0x0  }
0x16: {  	s3 =	sld [smem:$0x3FDB];
	s0 =	simm.s32 @p2 $0x1  }
0x17: {  	s4 =	simm.s32 $0x1BF5;
	[smem:$0x3FB5] =	sst s0  }
0x18: {  	s0 =	sld [smem:$0x3F98];
	_ =	swait.ge [sflag:s4], $0x0  }
0x19: {  	s7 =	sld [smem:$0x3F99]  }
0x1a: {  	s8 =	sadd.s32 $0xFFFFE003, lr  }
0x1b: {  	s9 =	sadd.s32 $0xFFFFFEF7, lr;
	s5 =	simm.s32 $0xFFFFFFFF;
	p2 =	slt.u32 s8, $0xFFFFF086  }
0x1c: {  	p1 =	slt.u32 s9, $0xF7A;
	s5 =	simm.s32 @!p2 $0x0  }
0x1d: {  	s5 =	simm.s32 @p1 $0x1;
	p0 =	seq.s32 s7, s2  }
0x1e: {  	s7 =	smul.u32 @!p0 $0xF7A, s2;
	p2 =	seq.s32 @!p0 s5, $0x0  }
0x1f: {  	s9 =	smul.u32 $0xF7A, s1;
	s8 =	simm.s32 @!p0 $0x1BF5;
	p2 =	por !p2, p0  }
0x20: {  	[sflag:s8] =	ssyncset.s32 @!p0 $0xFFFFF086;
	s6 =	sadd.s32 @!p0 s3, s7;
	s7 =	simm.s32 @!p0 $0x108  }
0x21: {  	s3 =	sadd.s32 s3, s9;
	s6 =	sadd.s32 @!p0 $0x88, s6;
	s7 =	simm.s32 @p2 $0x1082  }
0x22: {  	[simem:s7], [sflag:s8] =	dma.local @!p0 [hbm:s6], $0xF7A  }
0x23: {  	s9 =	sor.u32 $0xD0000000, s2;
	s6 =	simm.s32 $0x108;
	_ =	swait.ge @!p0 [sflag:s8], $0x0  }
0x24: {  	s3 =	sadd.s32 $0x88, s3;
	s6 =	simm.s32 @!p1 $0x1082;
	[sflag:s4] =	ssyncset.s32 $0xFFFFF086  }
0x25: {  	[simem:s6], [sflag:s4] =	dma.local [hbm:s3], $0xF7A  }
0x26: {  	[smem:$0x3F99] =	sst s1;
	(tag) =	ssettag s2;
	_ =	strace s9  }
0x27: {  	s1 =	sld [smem:$0x3FA9]  }
0x28: {  	s2 =	sld [smem:$0x3FAA]  }
0x29: {  	s4 =	sld [smem:$0x3FAC]  }
0x2a: {  	p0 =	seq.s32 s5, $0x0;
	s5 =	sld [smem:$0x3FAD]  }
0x2b: {  	s6 =	sld [smem:$0x3FAE]  }
0x2c: {  	s7 =	sld [smem:$0x3FAF]  }
0x2d: {  	s3 =	simm.s32 $0x108;
	s8 =	sld [smem:$0x3FB0]  }
0x2e: {  	s3 =	simm.s32 @!p0 $0x1082;
	s9 =	sld [smem:$0x3FB1]  }
0x2f: {  	lr =	sadd.s32 s0, s3;
	s0 =	sld [smem:$0x3FA8]  }
0x30: {  	s3 =	sld [smem:$0x3FAB]  }
0x31: {  	[smem:$0x3FB4] =	sst s10  }
0x32: {  	s10 =	sld [smem:$0x3FB2];
	_ =	sdelay $0x3  }
0x33: {  	p0 =	seq.s32 s10, $0x1;
	s10 =	sld [smem:$0x3FB4];
	_ =	sdelay $0x3  }
0x34: {  	[smem:$0x3FB4] =	sst s10  }
0x35: {  	s10 =	sld [smem:$0x3FB3];
	_ =	sdelay $0x3  }
0x36: {  	p1 =	seq.s32 s10, $0x1;
	s10 =	sld [smem:$0x3FB4];
	_ =	sdelay $0x3  }
0x37: {  	[smem:$0x3FB4] =	sst s10  }
0x38: {  	s10 =	sld [smem:$0x3FB5]  }
0x39: {  	_ = 	snop;
	(pc) =	sbr.ind lr, $3  }
0x3a: {  	_ = 	snop  }
0x3b: {  	_ = 	snop  }
0x3c: {  	p2 =	seq.s32 s10, $0x1;
	s10 =	sld [smem:$0x3FB4]  }
0x3d: {  	_ =	shalt  }
0x3e: {  	_ =	shalt  }
0x3f: {  	_ =	shalt  }
0x40: {  	_ =	shalt  }
0x41: {  	_ =	shalt  }
0x42: {  	_ =	shalt  }
0x43: {  	_ =	shalt  }
0x44: {  	_ =	shalt  }
0x45: {  	_ =	shalt  }
0x46: {  	_ =	shalt  }
0x47: {  	_ =	shalt  }
0x48: {  	_ =	shalt  }
0x49: {  	_ =	shalt  }
0x4a: {  	_ =	shalt  }
0x4b: {  	_ =	shalt  }
0x4c: {  	_ =	shalt  }
0x4d: {  	_ =	shalt  }
0x4e: {  	_ =	shalt  }
0x4f: {  	_ =	shalt  }
0x50: {  	_ =	shalt  }
0x51: {  	_ =	shalt  }
0x52: {  	_ =	shalt  }
0x53: {  	_ =	shalt  }
0x54: {  	_ =	shalt  }
0x55: {  	_ =	shalt  }
0x56: {  	_ =	shalt  }
0x57: {  	_ =	shalt  }
0x58: {  	_ =	shalt  }
0x59: {  	_ =	shalt  }
0x5a: {  	_ =	shalt  }
0x5b: {  	_ =	shalt  }
0x5c: {  	_ =	shalt  }
0x5d: {  	_ =	shalt  }
0x5e: {  	_ =	shalt  }
0x5f: {  	_ =	shalt  }
0x60: {  	_ =	shalt  }
0x61: {  	_ =	shalt  }
0x62: {  	_ =	shalt  }
0x63: {  	_ =	shalt  }
0x64: {  	_ =	shalt  }
0x65: {  	_ =	shalt  }
0x66: {  	_ =	shalt  }
0x67: {  	_ =	shalt  }
0x68: {  	_ =	shalt  }
0x69: {  	_ =	shalt  }
0x6a: {  	_ =	shalt  }
0x6b: {  	_ =	shalt  }
0x6c: {  	_ =	shalt  }
0x6d: {  	_ =	shalt  }
0x6e: {  	_ =	shalt  }
0x6f: {  	_ =	shalt  }
0x70: {  	_ =	shalt  }
0x71: {  	_ =	shalt  }
0x72: {  	_ =	shalt  }
0x73: {  	_ =	shalt  }
0x74: {  	_ =	shalt  }
0x75: {  	_ =	shalt  }
0x76: {  	_ =	shalt  }
0x77: {  	_ =	shalt  }
0x78: {  	_ =	shalt  }
0x79: {  	_ =	shalt  }
0x7a: {  	_ =	shalt  }
0x7b: {  	_ =	shalt  }
0x7c: {  	_ =	shalt  }
0x7d: {  	_ =	shalt  }
0x7e: {  	_ =	shalt  }
0x7f: {  	_ =	shalt  }
0x80: {  	_ =	shalt  }
0x81: {  	_ =	shalt  }
0x82: {  	_ =	shalt  }
0x83: {  	_ =	shalt  }
0x84: {  	_ =	shalt  }
0x85: {  	_ =	shalt  }
0x86: {  	_ =	shalt  }
0x87: {  	_ =	shalt  }
.Lfunc_end0:
.L_simem_size_0:
called_computation.1_lowered:
.L_overlay_start_0:
0x88: {  	s2 =	sld [smem:$0x3FD9]  }
0x89: {  	s3 =	sld [smem:$0x3FFE];
	_ =	sdelay $0x1  }
0x8a: {  	s1 =	srdreg.scid  }
0x8b: {  	s0 =	sand.u32 $0x1, s1  }
0x8c: {  	s17 =	sshll.u32 s0, $0xA;
	s2 =	sadd.s32 s3, s2  }
0x8d: {  	s2 =	sadd.s32 s2, s17  }
0x8e: {  	[smem:$0x3FC0] =	sst s2  }
0x8f: {  	_ = 	snop  }
0x90: {  	s2 =	sld [smem:$0x3FD0];
	(tm) =	ssettm $0x1  }
0x91: {  	s18 =	sld [smem:$0x3FFB];
	_ =	sdelay $0x3  }
0x92: {  	_ =	strace s18  }
0x93: {  	s3 =	sld [smem:$0x3FFC];
	_ =	sdelay $0x3  }
0x94: {  	_ =	strace s3  }
0x95: {  	s3 =	sld [smem:$0x3FFD];
	_ =	sdelay $0x3  }
0x96: {  	_ =	strace s3  }
0x97: {  	_ =	strace $0x8FFFFFFF  }
0x98: {  	s19 =	sld [smem:$0x3FDB];
	_ =	sdelay $0x1  }
0x99: {  	s4 =	simm.s32 $_scs_section_size  }
0x9a: {  	s5 =	simm.s32 $_size__tile_overlayer_lowered;
	s6 =	simm.s32 $_tile_overlayer_lowered  }
0x9b: {  	s22 =	simm.s32 $0x1BFF;
	s21 =	sshll.u32 s6, $0x1;
	s3 =	sadd.s32 s4, s19  }
0x9c: {  	s7 =	simm.s32 $0x0;
	s20 =	sshll.u32 s5, $0x1;
	s5 =	sadd.s32 s21, s3  }
0x9d: {  	[timem:s7], [sflag:s22] =	dma.local [hbm:s5], s20  }
0x9e: {  	_ =	swait.ge [sflag:s22], s20  }
0x9f: {  	s4 =	ssub.s32 $0x0, s20;
	[sflag:s22] =	ssyncset.done $0x0  }
0xa0: {  	[sflag:s22] =	ssyncadd.s32 s4;
	_ =	sdelay $0x1  }
0xa1: {  	s23 =	simm.s32 $0x1B8B  }
0xa2: {  	_ =	swait.ge [sflag:s23], $0x1  }
0xa3: {  	[sflag:s23] =	ssyncset.done $0x0  }
0xa4: {  	s25 =	simm.s32 $0x1B8E;
	s24 =	sld [smem:$0x3FFE];
	[sflag:s23] =	ssyncadd.s32 $0xFFFFFFFF  }
0xa5: {  	s26 =	simm.s32 $execute0_lowered;
	[smem:$0x3FD2] =	sst s25  }
0xa6: {  	s5 =	sshll.u32 s26, $0x1;
	_ =	strace $0x80000049;
	[dreg:$0x1] =	wrdreg $0xFFFFFFFF  }
0xa7: {  	s28 =	simm.s32 $_size_execute0_lowered;
	s3 =	sadd.s32 s3, s5;
	[dreg:$0x0] =	wrdreg $0x0  }
0xa8: {  	s5 =	sshll.u32 s28, $0x1;
	[dreg:$0x2] =	wrdreg s3  }
0xa9: {  	[dreg:$0x3] =	wrdreg s5  }
0xaa: {  	[dreg:$0x4] =	wrdreg $0xC0  }
0xab: {  	_ =	task [dreg:s7], $0x5FFFF  }
0xac: {  	[dreg:$0x1] =	wrdreg $0xFFFFFFFF  }
0xad: {  	[dreg:$0x0] =	wrdreg $0x60  }
0xae: {  	[dreg:$0x2] =	wrdreg s2  }
0xaf: {  	[dreg:$0x3] =	wrdreg s24  }
0xb0: {  	[dreg:$0x4] =	wrdreg $0x78800  }
0xb1: {  	[dreg:$0x5] =	wrdreg $0x9  }
0xb2: {  	_ =	task.clear_ibuf [dreg:s7], $0x6FFFF;
	_ =	strace $0x90000049  }
0xb3: {  	s29 =	simm.s32 $0x9;
	_ =	strace $0x8000004B  }
0xb4: {  	_ =	swait.ge [sflag:s29], $0x1  }
0xb5: {  	[sflag:s29] =	ssyncadd.s32 $0xFFFFFFFF  }
0xb6: {  	_ =	strace $0x9000004B  }
0xb7: {  	_ =	sfence  }
0xb8: {  	s30 =	sld [smem:$0x0];
	_ =	sdelay $0x2  }
0xb9: {  	s31 =	sshll.u32 s1, $0xD;
	s1 =	sshrl.u32 s1, $0x2  }
0xba: {  	s3 =	sand.u32 $0x4000, s31;
	s1 =	sadd.s32 s1, s30  }
0xbb: {  	s0 =	sor.u32 s3, s0;
	s1 =	sshll.u32 s1, $0x11  }
0xbc: {  	s0 =	sor.u32 s1, s0  }
0xbd: {  	s0 =	sadd.s32 $0x8F2B, s0  }
0xbe: {  	[sflag:s0] =	ssyncadd.remote.s32 $0x1  }
0xbf: {  	_ =	sfence.sel $0xFFFF  }
0xc0: {  	[dreg:$0x0] =	wrdreg $0xFFFFFFFF;
	(pc) =	sbr.abs _section_cstart, $3  }
0xc1: {  	[dreg:$0x1] =	wrdreg $0xFFFFFFFF  }
0xc2: {  	_ =	task.clear_ibuf [dreg:s7], $0x2FFFF;
	_ =	strace $0x9FFFFFFF  }
0xc3: {  	(tm) =	ssettm $0x7FFFFFFF  }
tec
execute0_lowered:
.L_overlay_start_1:
0x0: {  	(tag) =	ssettag $0x1  }
0x1: {  	s1 =	rddreg [dreg:$0x0]  }
0x2: {  	s5 =	rddreg [dreg:$0x1]  }
0x3: {  	s3 =	rddreg [dreg:$0x2];
	s2 =	srdreg.scid  }
0x4: {  	s0 =	rddreg [dreg:$0x3];
	s4 =	simm.s32 $0x0;
	s17 =	simm.s32 $0x3  }
0x5: {  	s18 =	simm.s32 $0x1B880;
	s19 =	simm.s32 $0x2880;
	s20 =	simm.s32 $0x50  }
0x6: {  	s21 =	simm.s32 $0x5080;
	s22 =	simm.s32 $0x1;
	s23 =	simm.s32 $0x2780  }
0x7: {  	s24 =	simm.s32 $0x2;
	s25 =	simm.s32 $0x2800;
	s6 =	sand.u32 $0x1, s2  }
0x8: {  	s26 =	simm.s32 $0x0;
	s2 =	stileid.u32;
	s7 =	smul.u32 $0x140000, s6  }
0x9: {  	[smem:$0x7FF] =	sst s4;
	s8 =	sshll.u32 s6, $0x4;
	s9 =	smul.u32 $0x14000, s2  }
0xa: {  	s6 =	ssub.s32 $0x2, s6;
	s30 =	smul.u32 $0x50000, s2;
	s8 =	sor.u32 s2, s8  }
0xb: {  	s31 =	sshrl.u32 s6, $0x1;
	s8 =	smul.u32 $0x4E2, s8;
	s7 =	sadd.s32 s9, s7  }
0xc: {  	_ =	strace $0x8000004A;
	s10 =	ssub.s32 s6, s31;
	s7 =	sshrl.u32 s7, $0x3  }
0xd: {  	s9 =	sshrl.u32 s30, $0x2;
	s8 =	sadd.s32 s8, s5;
	s7 =	sadd.s32 s7, s5  }
0xe: {  	s5 =	sadd.s32 $0xBE00, s8;
	s6 =	sadd.s32 $0x2000, s8;
	s8 =	sadd.s32 s9, s3  }
0xf: {  	s7 =	sadd.s32 $0x15C00, s7;
	s9 =	smax.u32 s10, $0x1;
	s10 =	sadd.s32 $0x2800, s8  }
0x10: {  	s11 =	sadd.s32 $0x5000, s8;
	s12 =	sadd.s32 $0x7800, s8;
	s13 =	sadd.s32 $0xA000, s8  }
0x11: {  	v0 =	vimm.f32 $0.0e+00;
	s14 =	sadd.s32 $0xC800, s8;
	s15 =	sadd.s32 $0xF000, s8;
	s16 =	sadd.s32 $0x11800, s8  }
.LBB2_1:
0x12: {  	[tilespmem:s4], [sflag:$0x3] =	stream.linear.gather [hbm4b:s5+s4], $0x2710, $0x38;
	[tilespmem:$0x1E000] =	vst v63  }
0x13: {  	_ =	swait.ge [sflag:s17], $0x2710  }
0x14: {  	[sflag:s17] =	ssyncset.done $0x0  }
0x15: {  	[sflag:s17] =	ssyncadd.s32 $0xFFFFD8F0  }
0x16: {  	[tilespmem:s18], [sflag:$0x3] =	stream.linear.gather [hbm4b:s6+s4], $0x2710, $0x38;
	[tilespmem:$0x1E000] =	vst v63  }
0x17: {  	_ =	swait.ge [sflag:s17], $0x2710  }
0x18: {  	[sflag:s17] =	ssyncset.done $0x0  }
0x19: {  	s28 =	simm.s32 $0x70;
	s29 =	simm.s32 $0x3C0;
	[sflag:s17] =	ssyncadd.s32 $0xFFFFD8F0  }
.LBB2_2:
0x1a: {  	p0 =	sne.s32 s29, $0x9FC0;
	[tilespmem:s28+$0x2880] =	vst v0  }
0x1b: {  	[tilespmem:s28+$0x2810] =	vst v0  }
0x1c: {  	[tilespmem:s28+$0x2820] =	vst v0  }
.Ltmp0:
0x1d: {  	[tilespmem:s28+$0x2830] =	vst v0;
	(pc) =	sbr.rel @p0 .LBB2_2-.Ltmp0, $4  }
0x1e: {  	[tilespmem:s28+$0x2840] =	vst v0  }
0x1f: {  	[tilespmem:s28+$0x2850] =	vst v0  }
0x20: {  	[tilespmem:s28+$0x2860] =	vst v0  }
0x21: {  	[tilespmem:s28+$0x2870] =	vst v0;
	s28 =	sshra.s32 s29, $0x2;
	s29 =	sadd.s32 $0x200, s29  }
0x22: {  	[tilespmem:s28+$0x2880] =	vst v0  }
0x23: {  	[tilespmem:s28+$0x2810] =	vst v0  }
0x24: {  	[tilespmem:s28+$0x2820] =	vst v0  }
0x25: {  	[tilespmem:s28+$0x2830] =	vst v0  }
0x26: {  	[tilespmem:s28+$0x2840] =	vst v0  }
0x27: {  	[tilespmem:s28+$0x2850] =	vst v0  }
0x28: {  	[tilespmem:s28+$0x2860] =	vst v0  }
0x29: {  	[tilespmem:s28+$0x2870] =	vst v0  }
0x2a: {  	[spmem:s8] =	stream.linear.scatter [tilespmem:s19], [sflag:$0x3], $0x2800, $0x38;
	[tilespmem:$0x1E000] =	vst v63  }
0x2b: {  	_ =	swait.ge [sflag:s17], $0x2800  }
0x2c: {  	[sflag:s17] =	ssyncset.done $0x0  }
0x2d: {  	[sflag:s17] =	ssyncadd.s32 $0xFFFFD800  }
0x2e: {  	[spmem:s10] =	stream.linear.scatter [tilespmem:s19], [sflag:$0x3], $0x2800, $0x38;
	[tilespmem:$0x1E000] =	vst v63  }
0x2f: {  	_ =	swait.ge [sflag:s17], $0x2800  }
0x30: {  	[sflag:s17] =	ssyncset.done $0x0  }
0x31: {  	[sflag:s17] =	ssyncadd.s32 $0xFFFFD800  }
0x32: {  	[spmem:s11] =	stream.linear.scatter [tilespmem:s19], [sflag:$0x3], $0x2800, $0x38;
	[tilespmem:$0x1E000] =	vst v63  }
0x33: {  	_ =	swait.ge [sflag:s17], $0x2800  }
0x34: {  	[sflag:s17] =	ssyncset.done $0x0  }
0x35: {  	[sflag:s17] =	ssyncadd.s32 $0xFFFFD800  }
0x36: {  	[spmem:s12] =	stream.linear.scatter [tilespmem:s19], [sflag:$0x3], $0x2800, $0x38;
	[tilespmem:$0x1E000] =	vst v63  }
0x37: {  	_ =	swait.ge [sflag:s17], $0x2800  }
0x38: {  	[sflag:s17] =	ssyncset.done $0x0  }
0x39: {  	[sflag:s17] =	ssyncadd.s32 $0xFFFFD800  }
0x3a: {  	[spmem:s13] =	stream.linear.scatter [tilespmem:s19], [sflag:$0x3], $0x2800, $0x38;
	[tilespmem:$0x1E000] =	vst v63  }
0x3b: {  	_ =	swait.ge [sflag:s17], $0x2800  }
0x3c: {  	[sflag:s17] =	ssyncset.done $0x0  }
0x3d: {  	[sflag:s17] =	ssyncadd.s32 $0xFFFFD800  }
0x3e: {  	[spmem:s14] =	stream.linear.scatter [tilespmem:s19], [sflag:$0x3], $0x2800, $0x38;
	[tilespmem:$0x1E000] =	vst v63  }
0x3f: {  	_ =	swait.ge [sflag:s17], $0x2800  }
0x40: {  	[sflag:s17] =	ssyncset.done $0x0  }
0x41: {  	[sflag:s17] =	ssyncadd.s32 $0xFFFFD800  }
0x42: {  	[spmem:s15] =	stream.linear.scatter [tilespmem:s19], [sflag:$0x3], $0x2800, $0x38;
	[tilespmem:$0x1E000] =	vst v63  }
0x43: {  	_ =	swait.ge [sflag:s17], $0x2800  }
0x44: {  	[sflag:s17] =	ssyncset.done $0x0  }
0x45: {  	[sflag:s17] =	ssyncadd.s32 $0xFFFFD800  }
0x46: {  	[spmem:s16] =	stream.linear.scatter [tilespmem:s19], [sflag:$0x3], $0x2800, $0x38;
	[tilespmem:$0x1E000] =	vst v63  }
0x47: {  	_ =	swait.ge [sflag:s17], $0x2800  }
0x48: {  	[sflag:s17] =	ssyncset.done $0x0  }
0x49: {  	[sflag:s17] =	ssyncadd.s32 $0xFFFFD800  }
0x4a: {  	s28 =	simm.s32 $0x50;
	s30 =	simm.s32 $0x0;
	[bflag:$0x0] =	sbarrier.arrive $0xFFFF  }
0x4b: {  	[tilespmem:s19], [sflag:$0x1] =	stream.indirect.gather [hbm4b:s1+s28], $0x80, s30, s28, $0xb8;
	[tilespmem:$0x1E000] =	vst v63  }
0x4c: {  	v1 =	vld [tilespmem:$0x1B880]  }
0x4d: {  	v2 =	vld [tilespmem:$0x1B890]  }
0x4e: {  	v3 =	vld [tilespmem:$0x1B8A0]  }
0x4f: {  	v4 =	vld [tilespmem:$0x1B8B0]  }
0x50: {  	v5 =	vld [tilespmem:$0x1B8C0]  }
0x51: {  	[tilespmem:$0x2780] =	vst v1  }
0x52: {  	[tilespmem:$0x2790] =	vst v2  }
0x53: {  	[tilespmem:$0x27A0] =	vst v3  }
0x54: {  	[tilespmem:$0x27B0] =	vst v4  }
0x55: {  	s29 =	simm.s32 $0x1B8F0;
	[tilespmem:$0x27C0] =	vst v5  }
0x56: {  	[tilespmem:s21], [sflag:$0x2] =	stream.indirect.gather [hbm4b:s1+s20], $0x80, s28, s20, $0xb8;
	[tilespmem:$0x1E000] =	vst v63  }
0x57: {  	v1 =	vld [tilespmem:s29+$0xFFFFFFE0];
	_ =	sdelay $0x4  }
0x58: {  	[tilespmem:$0x2800] =	vst v1  }
0x59: {  	v1 =	vld [tilespmem:s29+$0xFFFFFFF0];
	_ =	sdelay $0x4  }
0x5a: {  	[tilespmem:$0x2810] =	vst v1  }
0x5b: {  	v1 =	vld [tilespmem:s29+$0x0];
	_ =	sdelay $0x4  }
0x5c: {  	s30 =	sand.u32 $0x3FE0, s30;
	[tilespmem:$0x2820] =	vst v1  }
0x5d: {  	v1 =	vld [tilespmem:s30+$0x1B900];
	_ =	sdelay $0x4  }
0x5e: {  	[tilespmem:$0x2830] =	vst v1  }
0x5f: {  	v1 =	vld [tilespmem:s29+$0x20];
	_ =	sdelay $0x4  }
0x60: {  	[tilespmem:$0x2840] =	vst v1  }
0x61: {  	_ =	swait.ge [sflag:s22], $0x2800  }
0x62: {  	[sflag:s22] =	ssyncset.done $0x0  }
0x63: {  	[sflag:s22] =	ssyncadd.s32 $0xFFFFD800  }
0x64: {  	[spmem:s3] =	stream.indirect.scatter.add.f32 [tilespmem:s19], [sflag:$0x3], $0x80, s23, s20, $0xb8;
	[tilespmem:$0x1E000] =	vst v63  }
0x65: {  	_ =	swait.ge [sflag:s17], $0x2800  }
0x66: {  	[sflag:s17] =	ssyncset.done $0x0  }
0x67: {  	s30 =	simm.s32 $0xA0;
	[sflag:s17] =	ssyncadd.s32 $0xFFFFD800  }
0x68: {  	[tilespmem:s19], [sflag:$0x1] =	stream.indirect.gather [hbm4b:s1+s20], $0x80, s30, s20, $0xb8;
	[tilespmem:$0x1E000] =	vst v63  }
0x69: {  	v1 =	vld [tilespmem:s29+$0x30];
	_ =	sdelay $0x4  }
0x6a: {  	[tilespmem:$0x2780] =	vst v1  }
0x6b: {  	v1 =	vld [tilespmem:s29+$0x40];
	_ =	sdelay $0x4  }
0x6c: {  	[tilespmem:$0x2790] =	vst v1  }
0x6d: {  	v1 =	vld [tilespmem:s29+$0x50];
	_ =	sdelay $0x4  }
0x6e: {  	[tilespmem:$0x27A0] =	vst v1  }
0x6f: {  	v1 =	vld [tilespmem:s29+$0x60];
	_ =	sdelay $0x4  }
0x70: {  	[tilespmem:$0x27B0] =	vst v1  }
0x71: {  	v1 =	vld [tilespmem:s29+$0x70];
	_ =	sdelay $0x4  }
0x72: {  	[tilespmem:$0x27C0] =	vst v1  }
0x73: {  	_ =	swait.ge [sflag:s24], $0x2800  }
0x74: {  	[sflag:s24] =	ssyncset.done $0x0  }
0x75: {  	[sflag:s24] =	ssyncadd.s32 $0xFFFFD800  }
0x76: {  	[spmem:s3] =	stream.indirect.scatter.add.f32 [tilespmem:s21], [sflag:$0x3], $0x80, s25, s20, $0xb8;
	[tilespmem:$0x1E000] =	vst v63  }
0x77: {  	_ =	swait.ge [sflag:s17], $0x2800  }
0x78: {  	s30 =	simm.s32 $0xA0;
	[sflag:s17] =	ssyncset.done $0x0  }
.LBB2_4:
0x79: {  	[sflag:s17] =	ssyncadd.s32 $0xFFFFD800;
	s28 =	sadd.s32 $0xA0, s28;
	s29 =	sadd.s32 $0xA0, s29  }
0x7a: {  	[tilespmem:s21], [sflag:$0x2] =	stream.indirect.gather [hbm4b:s1+s20], $0x80, s28, s20, $0xb8;
	[tilespmem:$0x1E000] =	vst v63  }
0x7b: {  	p0 =	sne.s32 s30, $0x2620;
	s31 =	smov.u32 s30;
	s30 =	sadd.s32 $0xA0, s30;
	v1 =	vld [tilespmem:s29+$0xFFFFFFE0]  }
0x7c: {  	_ =	sdelay $0x3  }
0x7d: {  	[tilespmem:$0x2800] =	vst v1  }
0x7e: {  	v1 =	vld [tilespmem:s29+$0xFFFFFFF0];
	_ =	sdelay $0x4  }
0x7f: {  	[tilespmem:$0x2810] =	vst v1  }
0x80: {  	v1 =	vld [tilespmem:s29+$0x0];
	_ =	sdelay $0x4  }
0x81: {  	s31 =	sand.u32 $0x3FE0, s31;
	[tilespmem:$0x2820] =	vst v1  }
0x82: {  	v1 =	vld [tilespmem:s31+$0x1B900];
	_ =	sdelay $0x4  }
0x83: {  	[tilespmem:$0x2830] =	vst v1  }
0x84: {  	v1 =	vld [tilespmem:s29+$0x20];
	_ =	sdelay $0x4  }
0x85: {  	[tilespmem:$0x2840] =	vst v1  }
0x86: {  	_ =	swait.ge [sflag:s22], $0x2800  }
0x87: {  	[sflag:s22] =	ssyncset.done $0x0  }
0x88: {  	[sflag:s22] =	ssyncadd.s32 $0xFFFFD800  }
0x89: {  	[spmem:s3] =	stream.indirect.scatter.add.f32 [tilespmem:s19], [sflag:$0x3], $0x80, s23, s20, $0xb8;
	[tilespmem:$0x1E000] =	vst v63  }
0x8a: {  	_ =	swait.ge [sflag:s17], $0x2800  }
0x8b: {  	[sflag:s17] =	ssyncset.done $0x0  }
0x8c: {  	s31 =	sadd.s32 $0x50, s28;
	[sflag:s17] =	ssyncadd.s32 $0xFFFFD800  }
0x8d: {  	[tilespmem:s19], [sflag:$0x1] =	stream.indirect.gather [hbm4b:s1+s20], $0x80, s31, s20, $0xb8;
	[tilespmem:$0x1E000] =	vst v63  }
0x8e: {  	v1 =	vld [tilespmem:s29+$0x30];
	_ =	sdelay $0x4  }
0x8f: {  	[tilespmem:$0x2780] =	vst v1  }
0x90: {  	v1 =	vld [tilespmem:s29+$0x40];
	_ =	sdelay $0x4  }
0x91: {  	[tilespmem:$0x2790] =	vst v1  }
0x92: {  	v1 =	vld [tilespmem:s29+$0x50];
	_ =	sdelay $0x4  }
0x93: {  	[tilespmem:$0x27A0] =	vst v1  }
0x94: {  	v1 =	vld [tilespmem:s29+$0x60];
	_ =	sdelay $0x4  }
0x95: {  	[tilespmem:$0x27B0] =	vst v1  }
0x96: {  	v1 =	vld [tilespmem:s29+$0x70];
	_ =	sdelay $0x4  }
0x97: {  	[tilespmem:$0x27C0] =	vst v1  }
0x98: {  	_ =	swait.ge [sflag:s24], $0x2800  }
.Ltmp1:
0x99: {  	[sflag:s24] =	ssyncset.done $0x0;
	(pc) =	sbr.rel @p0 .LBB2_4-.Ltmp1, $4  }
0x9a: {  	[sflag:s24] =	ssyncadd.s32 $0xFFFFD800  }
0x9b: {  	[spmem:s3] =	stream.indirect.scatter.add.f32 [tilespmem:s21], [sflag:$0x3], $0x80, s25, s20, $0xb8;
	[tilespmem:$0x1E000] =	vst v63  }
0x9c: {  	_ =	swait.ge [sflag:s17], $0x2800  }
0x9d: {  	[sflag:s17] =	ssyncset.done $0x0  }
0x9e: {  	[sflag:s17] =	ssyncadd.s32 $0xFFFFD800  }
0x9f: {  	_ =	swait.ge [sflag:s22], $0x2800  }
0xa0: {  	[sflag:s22] =	ssyncset.done $0x0  }
0xa1: {  	[sflag:s22] =	ssyncadd.s32 $0xFFFFD800  }
0xa2: {  	[spmem:s3] =	stream.indirect.scatter.add.f32 [tilespmem:s19], [sflag:$0x3], $0x80, s23, s20, $0xb8;
	[tilespmem:$0x1E000] =	vst v63  }
0xa3: {  	_ =	swait.ge [sflag:s17], $0x2800  }
0xa4: {  	s28 =	sshll.u32 s2, $0x6;
	s26 =	sadd.s32 $0x1, s26;
	[sflag:s17] =	ssyncset.done $0x0  }
0xa5: {  	s29 =	sshrl.u32 s8, $0x3;
	p0 =	sne.s32 s26, s9;
	[sflag:s17] =	ssyncadd.s32 $0xFFFFD800  }
.Ltmp2:
0xa6: {  	s28 =	sor.u32 $0x1C03, s28;
	[bflag:$0x0] =	sbarrier.arrive $0xFFFF;
	(pc) =	sbr.rel @p0 .LBB2_1-.Ltmp2, $4  }
0xa7: {  	[hbm:s7], [sflag:s28] =	dma.local [spmem:s29], $0x2800  }
0xa8: {  	_ =	swait.ge [sflag:s17], $0x2800  }
0xa9: {  	[sflag:s17] =	ssyncset.done $0x0  }
0xaa: {  	[sflag:s17] =	ssyncadd.s32 $0xFFFFD800  }
0xab: {  	_ =	sfence.sel $0x180000  }
0xac: {  	[bflag:$0x0] =	sbarrier.arrive $0xFFFF  }
0xad: {  	p0 =	sne.s32 s2, $0x0;
	_ =	strace $0x9000004A  }
0xae: {  	s0 =	sadd.s32 @!p0 $0x100000, s0;
	[bflag:$0x2] =	sbarrier.arrive $0xFFFF  }
0xaf: {  	[sflag:s0] =	ssyncadd.tile.s32 @!p0 $0x1;
	_ =	shalt  }
.Lfunc_end2:
_tile_overlayer_lowered:
.L_overlay_start_2:
0xb0: {  	(tag) =	ssettag $0x2  }
0xb1: {  	s0 =	rddreg [dreg:$0x0];
	s2 =	stileid.u32  }
0xb2: {  	s1 =	rddreg [dreg:$0x1];
	p0 =	sne.s32 s2, $0x0  }
0xb3: {  	s3 =	rddreg [dreg:$0x2];
	[bflag:$0x3] =	sbarrier.arrive $0xFFFF;
	s2 =	simm.s32 @!p0 $0x1C03  }
0xb4: {  	[timem:s3], [sflag:s2] =	dma.local @!p0 [hbm:s0], s1  }
0xb5: {  	s0 =	simm.s32 @!p0 $0x3  }
0xb6: {  	_ =	swait.ge @!p0 [sflag:s0], s1  }
0xb7: {  	s1 =	ssub.s32 @!p0 $0x0, s1;
	[sflag:s0] =	ssyncset.done @!p0 $0x0  }
0xb8: {  	[sflag:s0] =	ssyncadd.s32 @!p0 s1  }
0xb9: {  	[bflag:$0x3] =	sbarrier.arrive $0xFFFF  }
0xba: {  	_ =	shalt  }

</sc_bundles>
